<compile_context>
chip_gen: v7x
topology: tpu7x:2x2x1
jax: 0.10.2.dev20260603
libtpu: 0.0.44.dev20260713+nightly
codegen_flags: <defaults>
</compile_context>

<pallas_src>
import functools

import jax
import jax.numpy as jnp
from jax import lax
from jax.experimental import pallas as pl
from jax.experimental.pallas import tpu as pltpu
from jax.experimental.pallas import tpu_sc as plsc

VOCAB = 1_000_000
D = 64
SEQ = 1024
BATCH = 1024

NUM_CORES = 2
NUM_SUBCORES = 16
NW = NUM_CORES * NUM_SUBCORES
ROWS_W = BATCH // NW
C = 128
CPR = SEQ // C
NCHUNK = ROWS_W * CPR
NBUF = 4
NQ = NCHUNK // NBUF
LANES = 16

_mesh = plsc.VectorSubcoreMesh(core_axis_name="c", subcore_axis_name="s")


@functools.partial(
    pl.kernel,
    mesh=_mesh,
    compiler_params=pltpu.CompilerParams(use_tc_tiling_on_sc=False),
    out_type=jax.ShapeDtypeStruct((BATCH, SEQ, D), jnp.float32),
    scratch_types=[
        pltpu.VMEM((SEQ, D), jnp.float32),
        pltpu.VMEM((NBUF, C), jnp.int32),
        pltpu.VMEM((NBUF, C, D), jnp.float32),
        pltpu.SemaphoreType.DMA((NBUF,)),
        pltpu.SemaphoreType.DMA((NBUF,)),
        pltpu.SemaphoreType.DMA((NBUF,)),
    ],
)
def _embed(ids_hbm, tok_hbm, pos_hbm, out_hbm, pos_v, idx_v, rows_v,
           gsem, osem, isem):
    wid = lax.axis_index("s") * NUM_CORES + lax.axis_index("c")
    row0 = wid * ROWS_W
    pltpu.sync_copy(pos_hbm, pos_v)

    def chunk_row_col(g):
        return row0 + g // CPR, (g % CPR) * C

    def prefill(buf, p0):
        @plsc.parallel_loop(0, C, unroll=4)
        def _fill(i):
            for j in range(D // LANES):
                sl = pl.ds(j * LANES, LANES)
                rows_v[buf, i, sl] = pos_v[p0 + i, sl]

    def load_ids(g, buf):
        pltpu.async_copy(ids_hbm.at[wid * NCHUNK + g], idx_v.at[buf],
                         isem.at[buf])

    def store_out(g, buf):
        r, c0 = chunk_row_col(g)
        pltpu.async_copy(rows_v.at[buf], out_hbm.at[r, pl.ds(c0, C), :],
                         osem.at[buf])

    def wait_store(buf):
        pltpu.make_async_copy(rows_v.at[buf], out_hbm.at[0, pl.ds(0, C), :],
                              osem.at[buf]).wait()

    def wait_ids(buf):
        pltpu.make_async_copy(ids_hbm.at[0], idx_v.at[buf],
                              isem.at[buf]).wait()

    def wait_gather(buf):
        pltpu.make_async_copy(tok_hbm.at[idx_v.at[buf]], rows_v.at[buf],
                              gsem.at[buf]).wait()

    for k in range(NBUF):
        load_ids(k, k)

    def quad_body(o, carry):
        for b in range(NBUF):
            g = o * NBUF + b
            bl = (b + NBUF - 2) % NBUF

            @pl.when(o > 0)
            def _wait_prev_store():
                wait_store(b)

            prefill(b, (g % CPR) * C)
            wait_ids(b)
            pltpu.async_copy(tok_hbm.at[idx_v.at[b]], rows_v.at[b],
                             gsem.at[b], add=True)

            @pl.when((o > 0) | (b >= 2))
            def _retire():
                wait_gather(bl)
                store_out(g - 2, bl)

                @pl.when(g + 2 < NCHUNK)
                def _prefetch_idx():
                    load_ids(g + 2, bl)
        return carry

    lax.fori_loop(0, NQ, quad_body, 0)

    for g in (NCHUNK - 2, NCHUNK - 1):
        b = g % NBUF
        wait_gather(b)
        store_out(g, b)
    for b in range(NBUF):
        wait_store(b)


def kernel(input_ids, token_table, pos_table):
    ids_rows = input_ids.astype(jnp.int32).reshape(BATCH * SEQ // C, C)
    return _embed(ids_rows, token_table, pos_table)

# --- scband reference (transcript-rebuilt; emitter-appended) ---
"""Pipeline reference for scband-embedding-layer-35338990912016 (READ-ONLY COPY).

The authoritative reference and input builder live on the scoring server;
editing this copy changes nothing except your own understanding.
"""

import jax, jax.numpy as jnp
import numpy as np

VOCAB = 1000000
EMBED_DIM = 64
CONTEXT_LEN = 1024
BATCH = 1024
SEQ_LEN = 1024


def setup_inputs(seed: int = 0) -> dict:
    key = jax.random.key(seed)
    k1, k2, k3 = jax.random.split(key, 3)
    input_ids = jax.random.randint(k1, (BATCH, SEQ_LEN), 0, VOCAB, dtype=jnp.int64) if jax.config.jax_enable_x64 else jax.random.randint(k1, (BATCH, SEQ_LEN), 0, VOCAB, dtype=jnp.int32)
    token_table = jax.random.normal(k2, (VOCAB, EMBED_DIM), dtype=jnp.float32) * 0.02
    pos_table = jax.random.normal(k3, (CONTEXT_LEN, EMBED_DIM), dtype=jnp.float32) * 0.02
    return {"input_ids": input_ids, "token_table": token_table, "pos_table": pos_table}


def reference(input_ids, token_table, pos_table):
    b, seq_len = input_ids.shape
    positions = jnp.arange(seq_len)[None, :]
    token_embeds = jnp.take(token_table, input_ids, axis=0)
    pos_embeds = jnp.take(pos_table, positions, axis=0)
    return token_embeds + pos_embeds

if __name__ == "__main__":
    import jax
    _d = setup_inputs()
    print(jax.jit(kernel)(*tuple(_d.values())))

</pallas_src>

<mosaic_0001>
#map = affine_map<(d0, d1) -> (0, 0)>
#map1 = affine_map<(d0, d1) -> (0, 0, 0)>
module attributes {stable_mosaic.version = 14 : i64} {
  func.func @_embed(%arg0: i32, %arg1: i32, %arg2: memref<8192x128xi32, #tpu.memory_space<hbm>>, %arg3: memref<1000000x64xf32, #tpu.memory_space<hbm>>, %arg4: memref<1024x64xf32, #tpu.memory_space<hbm>>, %arg5: memref<1024x1024x64xf32, #tpu.memory_space<hbm>>, %arg6: memref<1024x64xf32, #tpu.memory_space<vmem>>, %arg7: memref<4x128xi32, #tpu.memory_space<vmem>>, %arg8: memref<4x128x64xf32, #tpu.memory_space<vmem>>, %arg9: memref<4x!tpu.dma_semaphore, #tpu.memory_space<semaphore_mem>>, %arg10: memref<4x!tpu.dma_semaphore, #tpu.memory_space<semaphore_mem>>, %arg11: memref<4x!tpu.dma_semaphore, #tpu.memory_space<semaphore_mem>>) attributes {dimension_semantics = [#tpu.dimension_semantics<core_parallel>, #tpu.dimension_semantics<subcore_parallel>], iteration_bounds = array<i64: 2, 16>, scalar_prefetch = 0 : i64, scratch_operands = 6 : i64, tpu.core_type = #tpu.core_type<sc_vector_subcore>, window_params = [{transform_indices = #map}, {transform_indices = #map}, {transform_indices = #map}, {transform_indices = #map1}]} {
    %mul3A = arith.constant 2 : i32
    %mul3A_0 = arith.muli %arg1, %mul3A : i32
    %add3A = arith.addi %mul3A_0, %arg0 : i32
    %mul3A_1 = arith.constant 32 : i32
    %mul3A_2 = arith.muli %add3A, %mul3A_1 : i32
    "tpu.region"() ({
      %run_scoped3A = tpu.sem_alloc : memref<!tpu.dma_semaphore, #tpu.memory_space<semaphore_mem>>
      tpu.enqueue_dma source(%arg4 : memref<1024x64xf32, #tpu.memory_space<hbm>>) target(%arg6 : memref<1024x64xf32, #tpu.memory_space<vmem>>) target_semaphore(%run_scoped3A : memref<!tpu.dma_semaphore, #tpu.memory_space<semaphore_mem>>)
      tpu.wait_dma2 semaphore(%run_scoped3A : memref<!tpu.dma_semaphore, #tpu.memory_space<semaphore_mem>>) src(%arg4 : memref<1024x64xf32, #tpu.memory_space<hbm>>) dst(%arg6 : memref<1024x64xf32, #tpu.memory_space<vmem>>)
      tpu.yield
    }) : () -> ()
    %mul3A_3 = arith.constant 256 : i32
    %mul3A_4 = arith.muli %add3A, %mul3A_3 : i32
    %add3A_5 = arith.constant 0 : i32
    %add3A_6 = arith.addi %mul3A_4, %add3A_5 : i32
    %dma_start3A = arith.constant 0 : i32
    %dma_start3A_7 = arith.constant 0 : i32
    %dma_start3A_8 = arith.constant 0 : i32
    %dma_start3A_9 = tpu.memref_slice %arg7[%dma_start3A, %dma_start3A_8] : memref<4x128xi32, #tpu.memory_space<vmem>> -> memref<1x128xi32, #tpu.memory_space<vmem>>
    %dma_start3A_10 = tpu.memref_squeeze %dma_start3A_9 : memref<1x128xi32, #tpu.memory_space<vmem>> -> memref<128xi32, #tpu.memory_space<vmem>>
    %dma_start3A_11 = arith.constant 0 : i32
    %dma_start3A_12 = tpu.memref_slice %arg2[%add3A_6, %dma_start3A_11] : memref<8192x128xi32, #tpu.memory_space<hbm>> -> memref<1x128xi32, #tpu.memory_space<hbm>>
    %dma_start3A_13 = tpu.memref_squeeze %dma_start3A_12 : memref<1x128xi32, #tpu.memory_space<hbm>> -> memref<128xi32, #tpu.memory_space<hbm>>
    %dma_start3A_14 = tpu.memref_slice %arg11[%dma_start3A_7] : memref<4x!tpu.dma_semaphore, #tpu.memory_space<semaphore_mem>> -> memref<1x!tpu.dma_semaphore, #tpu.memory_space<semaphore_mem>>
    %dma_start3A_15 = tpu.memref_squeeze %dma_start3A_14 : memref<1x!tpu.dma_semaphore, #tpu.memory_space<semaphore_mem>> -> memref<!tpu.dma_semaphore, #tpu.memory_space<semaphore_mem>>
    %dma_start3A_16 = arith.constant 0 : i32
    %dma_start3A_17 = tpu.memref_slice %arg7[%dma_start3A, %dma_start3A_16] : memref<4x128xi32, #tpu.memory_space<vmem>> -> memref<1x128xi32, #tpu.memory_space<vmem>>
    %dma_start3A_18 = tpu.memref_squeeze %dma_start3A_17 : memref<1x128xi32, #tpu.memory_space<vmem>> -> memref<128xi32, #tpu.memory_space<vmem>>
    %dma_start3A_19 = arith.constant 0 : i32
    %dma_start3A_20 = tpu.memref_slice %arg2[%add3A_6, %dma_start3A_19] : memref<8192x128xi32, #tpu.memory_space<hbm>> -> memref<1x128xi32, #tpu.memory_space<hbm>>
    %dma_start3A_21 = tpu.memref_squeeze %dma_start3A_20 : memref<1x128xi32, #tpu.memory_space<hbm>> -> memref<128xi32, #tpu.memory_space<hbm>>
    tpu.enqueue_dma source(%dma_start3A_21 : memref<128xi32, #tpu.memory_space<hbm>>) target(%dma_start3A_18 : memref<128xi32, #tpu.memory_space<vmem>>) target_semaphore(%dma_start3A_15 : memref<!tpu.dma_semaphore, #tpu.memory_space<semaphore_mem>>)
    %mul3A_22 = arith.constant 256 : i32
    %mul3A_23 = arith.muli %add3A, %mul3A_22 : i32
    %add3A_24 = arith.constant 1 : i32
    %add3A_25 = arith.addi %mul3A_23, %add3A_24 : i32
    %dma_start3A_26 = arith.constant 1 : i32
    %dma_start3A_27 = arith.constant 1 : i32
    %dma_start3A_28 = arith.constant 0 : i32
    %dma_start3A_29 = tpu.memref_slice %arg7[%dma_start3A_26, %dma_start3A_28] : memref<4x128xi32, #tpu.memory_space<vmem>> -> memref<1x128xi32, #tpu.memory_space<vmem>>
    %dma_start3A_30 = tpu.memref_squeeze %dma_start3A_29 : memref<1x128xi32, #tpu.memory_space<vmem>> -> memref<128xi32, #tpu.memory_space<vmem>>
    %dma_start3A_31 = arith.constant 0 : i32
    %dma_start3A_32 = tpu.memref_slice %arg2[%add3A_25, %dma_start3A_31] : memref<8192x128xi32, #tpu.memory_space<hbm>> -> memref<1x128xi32, #tpu.memory_space<hbm>>
    %dma_start3A_33 = tpu.memref_squeeze %dma_start3A_32 : memref<1x128xi32, #tpu.memory_space<hbm>> -> memref<128xi32, #tpu.memory_space<hbm>>
    %dma_start3A_34 = tpu.memref_slice %arg11[%dma_start3A_27] : memref<4x!tpu.dma_semaphore, #tpu.memory_space<semaphore_mem>> -> memref<1x!tpu.dma_semaphore, #tpu.memory_space<semaphore_mem>>
    %dma_start3A_35 = tpu.memref_squeeze %dma_start3A_34 : memref<1x!tpu.dma_semaphore, #tpu.memory_space<semaphore_mem>> -> memref<!tpu.dma_semaphore, #tpu.memory_space<semaphore_mem>>
    %dma_start3A_36 = arith.constant 0 : i32
    %dma_start3A_37 = tpu.memref_slice %arg7[%dma_start3A_26, %dma_start3A_36] : memref<4x128xi32, #tpu.memory_space<vmem>> -> memref<1x128xi32, #tpu.memory_space<vmem>>
    %dma_start3A_38 = tpu.memref_squeeze %dma_start3A_37 : memref<1x128xi32, #tpu.memory_space<vmem>> -> memref<128xi32, #tpu.memory_space<vmem>>
    %dma_start3A_39 = arith.constant 0 : i32
    %dma_start3A_40 = tpu.memref_slice %arg2[%add3A_25, %dma_start3A_39] : memref<8192x128xi32, #tpu.memory_space<hbm>> -> memref<1x128xi32, #tpu.memory_space<hbm>>
    %dma_start3A_41 = tpu.memref_squeeze %dma_start3A_40 : memref<1x128xi32, #tpu.memory_space<hbm>> -> memref<128xi32, #tpu.memory_space<hbm>>
    tpu.enqueue_dma source(%dma_start3A_41 : memref<128xi32, #tpu.memory_space<hbm>>) target(%dma_start3A_38 : memref<128xi32, #tpu.memory_space<vmem>>) target_semaphore(%dma_start3A_35 : memref<!tpu.dma_semaphore, #tpu.memory_space<semaphore_mem>>)
    %mul3A_42 = arith.constant 256 : i32
    %mul3A_43 = arith.muli %add3A, %mul3A_42 : i32
    %add3A_44 = arith.constant 2 : i32
    %add3A_45 = arith.addi %mul3A_43, %add3A_44 : i32
    %dma_start3A_46 = arith.constant 2 : i32
    %dma_start3A_47 = arith.constant 2 : i32
    %dma_start3A_48 = arith.constant 0 : i32
    %dma_start3A_49 = tpu.memref_slice %arg7[%dma_start3A_46, %dma_start3A_48] : memref<4x128xi32, #tpu.memory_space<vmem>> -> memref<1x128xi32, #tpu.memory_space<vmem>>
    %dma_start3A_50 = tpu.memref_squeeze %dma_start3A_49 : memref<1x128xi32, #tpu.memory_space<vmem>> -> memref<128xi32, #tpu.memory_space<vmem>>
    %dma_start3A_51 = arith.constant 0 : i32
    %dma_start3A_52 = tpu.memref_slice %arg2[%add3A_45, %dma_start3A_51] : memref<8192x128xi32, #tpu.memory_space<hbm>> -> memref<1x128xi32, #tpu.memory_space<hbm>>
    %dma_start3A_53 = tpu.memref_squeeze %dma_start3A_52 : memref<1x128xi32, #tpu.memory_space<hbm>> -> memref<128xi32, #tpu.memory_space<hbm>>
    %dma_start3A_54 = tpu.memref_slice %arg11[%dma_start3A_47] : memref<4x!tpu.dma_semaphore, #tpu.memory_space<semaphore_mem>> -> memref<1x!tpu.dma_semaphore, #tpu.memory_space<semaphore_mem>>
    %dma_start3A_55 = tpu.memref_squeeze %dma_start3A_54 : memref<1x!tpu.dma_semaphore, #tpu.memory_space<semaphore_mem>> -> memref<!tpu.dma_semaphore, #tpu.memory_space<semaphore_mem>>
    %dma_start3A_56 = arith.constant 0 : i32
    %dma_start3A_57 = tpu.memref_slice %arg7[%dma_start3A_46, %dma_start3A_56] : memref<4x128xi32, #tpu.memory_space<vmem>> -> memref<1x128xi32, #tpu.memory_space<vmem>>
    %dma_start3A_58 = tpu.memref_squeeze %dma_start3A_57 : memref<1x128xi32, #tpu.memory_space<vmem>> -> memref<128xi32, #tpu.memory_space<vmem>>
    %dma_start3A_59 = arith.constant 0 : i32
    %dma_start3A_60 = tpu.memref_slice %arg2[%add3A_45, %dma_start3A_59] : memref<8192x128xi32, #tpu.memory_space<hbm>> -> memref<1x128xi32, #tpu.memory_space<hbm>>
    %dma_start3A_61 = tpu.memref_squeeze %dma_start3A_60 : memref<1x128xi32, #tpu.memory_space<hbm>> -> memref<128xi32, #tpu.memory_space<hbm>>
    tpu.enqueue_dma source(%dma_start3A_61 : memref<128xi32, #tpu.memory_space<hbm>>) target(%dma_start3A_58 : memref<128xi32, #tpu.memory_space<vmem>>) target_semaphore(%dma_start3A_55 : memref<!tpu.dma_semaphore, #tpu.memory_space<semaphore_mem>>)
    %mul3A_62 = arith.constant 256 : i32
    %mul3A_63 = arith.muli %add3A, %mul3A_62 : i32
    %add3A_64 = arith.constant 3 : i32
    %add3A_65 = arith.addi %mul3A_63, %add3A_64 : i32
    %dma_start3A_66 = arith.constant 3 : i32
    %dma_start3A_67 = arith.constant 3 : i32
    %dma_start3A_68 = arith.constant 0 : i32
    %dma_start3A_69 = tpu.memref_slice %arg7[%dma_start3A_66, %dma_start3A_68] : memref<4x128xi32, #tpu.memory_space<vmem>> -> memref<1x128xi32, #tpu.memory_space<vmem>>
    %dma_start3A_70 = tpu.memref_squeeze %dma_start3A_69 : memref<1x128xi32, #tpu.memory_space<vmem>> -> memref<128xi32, #tpu.memory_space<vmem>>
    %dma_start3A_71 = arith.constant 0 : i32
    %dma_start3A_72 = tpu.memref_slice %arg2[%add3A_65, %dma_start3A_71] : memref<8192x128xi32, #tpu.memory_space<hbm>> -> memref<1x128xi32, #tpu.memory_space<hbm>>
    %dma_start3A_73 = tpu.memref_squeeze %dma_start3A_72 : memref<1x128xi32, #tpu.memory_space<hbm>> -> memref<128xi32, #tpu.memory_space<hbm>>
    %dma_start3A_74 = tpu.memref_slice %arg11[%dma_start3A_67] : memref<4x!tpu.dma_semaphore, #tpu.memory_space<semaphore_mem>> -> memref<1x!tpu.dma_semaphore, #tpu.memory_space<semaphore_mem>>
    %dma_start3A_75 = tpu.memref_squeeze %dma_start3A_74 : memref<1x!tpu.dma_semaphore, #tpu.memory_space<semaphore_mem>> -> memref<!tpu.dma_semaphore, #tpu.memory_space<semaphore_mem>>
    %dma_start3A_76 = arith.constant 0 : i32
    %dma_start3A_77 = tpu.memref_slice %arg7[%dma_start3A_66, %dma_start3A_76] : memref<4x128xi32, #tpu.memory_space<vmem>> -> memref<1x128xi32, #tpu.memory_space<vmem>>
    %dma_start3A_78 = tpu.memref_squeeze %dma_start3A_77 : memref<1x128xi32, #tpu.memory_space<vmem>> -> memref<128xi32, #tpu.memory_space<vmem>>
    %dma_start3A_79 = arith.constant 0 : i32
    %dma_start3A_80 = tpu.memref_slice %arg2[%add3A_65, %dma_start3A_79] : memref<8192x128xi32, #tpu.memory_space<hbm>> -> memref<1x128xi32, #tpu.memory_space<hbm>>
    %dma_start3A_81 = tpu.memref_squeeze %dma_start3A_80 : memref<1x128xi32, #tpu.memory_space<hbm>> -> memref<128xi32, #tpu.memory_space<hbm>>
    tpu.enqueue_dma source(%dma_start3A_81 : memref<128xi32, #tpu.memory_space<hbm>>) target(%dma_start3A_78 : memref<128xi32, #tpu.memory_space<vmem>>) target_semaphore(%dma_start3A_75 : memref<!tpu.dma_semaphore, #tpu.memory_space<semaphore_mem>>)
    %scan3A = arith.constant 0 : i32
    %scan3A_82 = arith.constant 0 : i32
    %scan3A_83 = arith.constant 64 : i32
    %scan3A_84 = arith.addi %scan3A_82, %scan3A_83 : i32
    %scan3A_85 = arith.constant 1 : i32
    scf.for %scan3A_244 = %scan3A_82 to %scan3A_84 step %scan3A_85  : i32 {
      %mul3A_245 = arith.constant 4 : i32
      %mul3A_246 = arith.muli %scan3A_244, %mul3A_245 : i32
      %add3A_247 = arith.constant 0 : i32
      %add3A_248 = arith.addi %mul3A_246, %add3A_247 : i32
      %gt3A = arith.constant 0 : i32
      %gt3A_249 = arith.cmpi sgt, %scan3A_244, %gt3A : i32
      %convert_element_type3A = arith.extui %gt3A_249 : i1 to i32
      %cond3A = arith.constant 0 : i32
      %cond3A_250 = arith.cmpi ne, %convert_element_type3A, %cond3A : i32
      scf.if %cond3A_250 {
        %dma_wait3A_509 = arith.constant 0 : i32
        %dma_wait3A_510 = arith.constant 0 : i32
        %dma_wait3A_511 = arith.constant 0 : i32
        %dma_wait3A_512 = arith.constant 0 : i32
        %dma_wait3A_513 = arith.constant 0 : i32
        %dma_wait3A_514 = tpu.memref_slice %arg8[%dma_wait3A_509, %dma_wait3A_512, %dma_wait3A_513] : memref<4x128x64xf32, #tpu.memory_space<vmem>> -> memref<1x128x64xf32, #tpu.memory_space<vmem>>
        %dma_wait3A_515 = tpu.memref_squeeze %dma_wait3A_514 : memref<1x128x64xf32, #tpu.memory_space<vmem>> -> memref<128x64xf32, #tpu.memory_space<vmem>>
        %dma_wait3A_516 = arith.constant 0 : i32
        %dma_wait3A_517 = arith.constant 0 : i32
        %dma_wait3A_518 = tpu.memref_slice %arg5[%dma_wait3A_510, %dma_wait3A_516, %dma_wait3A_517] : memref<1024x1024x64xf32, #tpu.memory_space<hbm>> -> memref<1x128x64xf32, #tpu.memory_space<hbm>>
        %dma_wait3A_519 = tpu.memref_squeeze %dma_wait3A_518 : memref<1x128x64xf32, #tpu.memory_space<hbm>> -> memref<128x64xf32, #tpu.memory_space<hbm>>
        %dma_wait3A_520 = tpu.memref_slice %arg10[%dma_wait3A_511] : memref<4x!tpu.dma_semaphore, #tpu.memory_space<semaphore_mem>> -> memref<1x!tpu.dma_semaphore, #tpu.memory_space<semaphore_mem>>
        %dma_wait3A_521 = tpu.memref_squeeze %dma_wait3A_520 : memref<1x!tpu.dma_semaphore, #tpu.memory_space<semaphore_mem>> -> memref<!tpu.dma_semaphore, #tpu.memory_space<semaphore_mem>>
        %dma_wait3A_522 = arith.constant 0 : i32
        %dma_wait3A_523 = arith.constant 0 : i32
        %dma_wait3A_524 = tpu.memref_slice %arg5[%dma_wait3A_510, %dma_wait3A_522, %dma_wait3A_523] : memref<1024x1024x64xf32, #tpu.memory_space<hbm>> -> memref<1x128x64xf32, #tpu.memory_space<hbm>>
        %dma_wait3A_525 = tpu.memref_squeeze %dma_wait3A_524 : memref<1x128x64xf32, #tpu.memory_space<hbm>> -> memref<128x64xf32, #tpu.memory_space<hbm>>
        %dma_wait3A_526 = arith.constant 0 : i32
        %dma_wait3A_527 = arith.constant 0 : i32
        %dma_wait3A_528 = tpu.memref_slice %arg8[%dma_wait3A_509, %dma_wait3A_526, %dma_wait3A_527] : memref<4x128x64xf32, #tpu.memory_space<vmem>> -> memref<1x128x64xf32, #tpu.memory_space<vmem>>
        %dma_wait3A_529 = tpu.memref_squeeze %dma_wait3A_528 : memref<1x128x64xf32, #tpu.memory_space<vmem>> -> memref<128x64xf32, #tpu.memory_space<vmem>>
        tpu.wait_dma2 semaphore(%dma_wait3A_521 : memref<!tpu.dma_semaphore, #tpu.memory_space<semaphore_mem>>) src(%dma_wait3A_529 : memref<128x64xf32, #tpu.memory_space<vmem>>) dst(%dma_wait3A_525 : memref<128x64xf32, #tpu.memory_space<hbm>>)
      } else {
      }
      %jit3A = arith.constant 8 : i32
      %eq3A = arith.constant 0 : i32
      %eq3A_251 = arith.cmpi eq, %jit3A, %eq3A : i32
      %jit3A_252 = arith.constant 1 : i32
      %select_n3A = arith.select %eq3A_251, %jit3A_252, %jit3A : i32
      %rem3A = arith.remsi %add3A_248, %select_n3A : i32
      %ne3A = arith.constant 0 : i32
      %ne3A_253 = arith.cmpi ne, %rem3A, %ne3A : i32
      %lt3A = arith.constant 0 : i32
      %lt3A_254 = arith.cmpi slt, %rem3A, %lt3A : i32
      %lt3A_255 = arith.constant 0 : i32
      %lt3A_256 = arith.cmpi slt, %select_n3A, %lt3A_255 : i32
      %ne3A_257 = arith.xori %lt3A_254, %lt3A_256 : i1
      %and3A = arith.andi %ne3A_257, %ne3A_253 : i1
      %add3A_258 = arith.addi %rem3A, %select_n3A : i32
      %select_n3A_259 = arith.select %and3A, %add3A_258, %rem3A : i32
      %mul3A_260 = arith.constant 128 : i32
      %mul3A_261 = arith.muli %select_n3A_259, %mul3A_260 : i32
      %parallel_loop3A = arith.constant 0 : i32
      %parallel_loop3A_262 = arith.constant 128 : i32
      %parallel_loop3A_263 = arith.constant 1 : i32
      scf.for %parallel_loop3A_509 = %parallel_loop3A to %parallel_loop3A_262 step %parallel_loop3A_263  : i32 {
        %parallel_loop3A_510 = arith.addi %mul3A_261, %parallel_loop3A_509 : i32
        %parallel_loop3A_511 = arith.index_cast %parallel_loop3A_510 : i32 to index
        %parallel_loop3A_512 = arith.constant 0 : index
        %parallel_loop3A_513 = tpu.vector_load %arg6[%parallel_loop3A_511, %parallel_loop3A_512] {strides = array<i32>} : memref<1024x64xf32, #tpu.memory_space<vmem>>, vector<1x16xf32>,
        %parallel_loop3A_514 = vector.shape_cast %parallel_loop3A_513 : vector<1x16xf32> to vector<16xf32>
        %parallel_loop3A_515 = arith.constant 0 : i32
        %parallel_loop3A_516 = arith.index_cast %parallel_loop3A_515 : i32 to index
        %parallel_loop3A_517 = arith.index_cast %parallel_loop3A_509 : i32 to index
        %parallel_loop3A_518 = arith.constant 0 : index
        %parallel_loop3A_519 = tpu.vector_load %arg8[%parallel_loop3A_516, %parallel_loop3A_517, %parallel_loop3A_518] {strides = array<i32>} : memref<4x128x64xf32, #tpu.memory_space<vmem>>, vector<1x1x16xf32>,
        %parallel_loop3A_520 = vector.shape_cast %parallel_loop3A_519 : vector<1x1x16xf32> to vector<16xf32>
        %parallel_loop3A_521 = vector.shape_cast %parallel_loop3A_514 : vector<16xf32> to vector<1x1x16xf32>
        tpu.vector_store %arg8[%parallel_loop3A_516, %parallel_loop3A_517, %parallel_loop3A_518], %parallel_loop3A_521 {strides = array<i32>} : memref<4x128x64xf32, #tpu.memory_space<vmem>>, vector<1x1x16xf32>,
        %parallel_loop3A_522 = arith.addi %mul3A_261, %parallel_loop3A_509 : i32
        %parallel_loop3A_523 = arith.index_cast %parallel_loop3A_522 : i32 to index
        %parallel_loop3A_524 = arith.constant 16 : index
        %parallel_loop3A_525 = tpu.vector_load %arg6[%parallel_loop3A_523, %parallel_loop3A_524] {strides = array<i32>} : memref<1024x64xf32, #tpu.memory_space<vmem>>, vector<1x16xf32>,
        %parallel_loop3A_526 = vector.shape_cast %parallel_loop3A_525 : vector<1x16xf32> to vector<16xf32>
        %parallel_loop3A_527 = arith.constant 0 : i32
        %parallel_loop3A_528 = arith.index_cast %parallel_loop3A_527 : i32 to index
        %parallel_loop3A_529 = arith.index_cast %parallel_loop3A_509 : i32 to index
        %parallel_loop3A_530 = arith.constant 16 : index
        %parallel_loop3A_531 = tpu.vector_load %arg8[%parallel_loop3A_528, %parallel_loop3A_529, %parallel_loop3A_530] {strides = array<i32>} : memref<4x128x64xf32, #tpu.memory_space<vmem>>, vector<1x1x16xf32>,
        %parallel_loop3A_532 = vector.shape_cast %parallel_loop3A_531 : vector<1x1x16xf32> to vector<16xf32>
        %parallel_loop3A_533 = vector.shape_cast %parallel_loop3A_526 : vector<16xf32> to vector<1x1x16xf32>
        tpu.vector_store %arg8[%parallel_loop3A_528, %parallel_loop3A_529, %parallel_loop3A_530], %parallel_loop3A_533 {strides = array<i32>} : memref<4x128x64xf32, #tpu.memory_space<vmem>>, vector<1x1x16xf32>,
        %parallel_loop3A_534 = arith.addi %mul3A_261, %parallel_loop3A_509 : i32
        %parallel_loop3A_535 = arith.index_cast %parallel_loop3A_534 : i32 to index
        %parallel_loop3A_536 = arith.constant 32 : index
        %parallel_loop3A_537 = tpu.vector_load %arg6[%parallel_loop3A_535, %parallel_loop3A_536] {strides = array<i32>} : memref<1024x64xf32, #tpu.memory_space<vmem>>, vector<1x16xf32>,
        %parallel_loop3A_538 = vector.shape_cast %parallel_loop3A_537 : vector<1x16xf32> to vector<16xf32>
        %parallel_loop3A_539 = arith.constant 0 : i32
        %parallel_loop3A_540 = arith.index_cast %parallel_loop3A_539 : i32 to index
        %parallel_loop3A_541 = arith.index_cast %parallel_loop3A_509 : i32 to index
        %parallel_loop3A_542 = arith.constant 32 : index
        %parallel_loop3A_543 = tpu.vector_load %arg8[%parallel_loop3A_540, %parallel_loop3A_541, %parallel_loop3A_542] {strides = array<i32>} : memref<4x128x64xf32, #tpu.memory_space<vmem>>, vector<1x1x16xf32>,
        %parallel_loop3A_544 = vector.shape_cast %parallel_loop3A_543 : vector<1x1x16xf32> to vector<16xf32>
        %parallel_loop3A_545 = vector.shape_cast %parallel_loop3A_538 : vector<16xf32> to vector<1x1x16xf32>
        tpu.vector_store %arg8[%parallel_loop3A_540, %parallel_loop3A_541, %parallel_loop3A_542], %parallel_loop3A_545 {strides = array<i32>} : memref<4x128x64xf32, #tpu.memory_space<vmem>>, vector<1x1x16xf32>,
        %parallel_loop3A_546 = arith.addi %mul3A_261, %parallel_loop3A_509 : i32
        %parallel_loop3A_547 = arith.index_cast %parallel_loop3A_546 : i32 to index
        %parallel_loop3A_548 = arith.constant 48 : index
        %parallel_loop3A_549 = tpu.vector_load %arg6[%parallel_loop3A_547, %parallel_loop3A_548] {strides = array<i32>} : memref<1024x64xf32, #tpu.memory_space<vmem>>, vector<1x16xf32>,
        %parallel_loop3A_550 = vector.shape_cast %parallel_loop3A_549 : vector<1x16xf32> to vector<16xf32>
        %parallel_loop3A_551 = arith.constant 0 : i32
        %parallel_loop3A_552 = arith.index_cast %parallel_loop3A_551 : i32 to index
        %parallel_loop3A_553 = arith.index_cast %parallel_loop3A_509 : i32 to index
        %parallel_loop3A_554 = arith.constant 48 : index
        %parallel_loop3A_555 = tpu.vector_load %arg8[%parallel_loop3A_552, %parallel_loop3A_553, %parallel_loop3A_554] {strides = array<i32>} : memref<4x128x64xf32, #tpu.memory_space<vmem>>, vector<1x1x16xf32>,
        %parallel_loop3A_556 = vector.shape_cast %parallel_loop3A_555 : vector<1x1x16xf32> to vector<16xf32>
        %parallel_loop3A_557 = vector.shape_cast %parallel_loop3A_550 : vector<16xf32> to vector<1x1x16xf32>
        tpu.vector_store %arg8[%parallel_loop3A_552, %parallel_loop3A_553, %parallel_loop3A_554], %parallel_loop3A_557 {strides = array<i32>} : memref<4x128x64xf32, #tpu.memory_space<vmem>>, vector<1x1x16xf32>,
      } {sc.loop_unroll_factor = 4 : i64, sc.parallel_access}
      %dma_wait3A_264 = arith.constant 0 : i32
      %dma_wait3A_265 = arith.constant 0 : i32
      %dma_wait3A_266 = arith.constant 0 : i32
      %dma_wait3A_267 = arith.constant 0 : i32
      %dma_wait3A_268 = tpu.memref_slice %arg7[%dma_wait3A_265, %dma_wait3A_267] : memref<4x128xi32, #tpu.memory_space<vmem>> -> memref<1x128xi32, #tpu.memory_space<vmem>>
      %dma_wait3A_269 = tpu.memref_squeeze %dma_wait3A_268 : memref<1x128xi32, #tpu.memory_space<vmem>> -> memref<128xi32, #tpu.memory_space<vmem>>
      %dma_wait3A_270 = arith.constant 0 : i32
      %dma_wait3A_271 = tpu.memref_slice %arg2[%dma_wait3A_264, %dma_wait3A_270] : memref<8192x128xi32, #tpu.memory_space<hbm>> -> memref<1x128xi32, #tpu.memory_space<hbm>>
      %dma_wait3A_272 = tpu.memref_squeeze %dma_wait3A_271 : memref<1x128xi32, #tpu.memory_space<hbm>> -> memref<128xi32, #tpu.memory_space<hbm>>
      %dma_wait3A_273 = tpu.memref_slice %arg11[%dma_wait3A_266] : memref<4x!tpu.dma_semaphore, #tpu.memory_space<semaphore_mem>> -> memref<1x!tpu.dma_semaphore, #tpu.memory_space<semaphore_mem>>
      %dma_wait3A_274 = tpu.memref_squeeze %dma_wait3A_273 : memref<1x!tpu.dma_semaphore, #tpu.memory_space<semaphore_mem>> -> memref<!tpu.dma_semaphore, #tpu.memory_space<semaphore_mem>>
      %dma_wait3A_275 = arith.constant 0 : i32
      %dma_wait3A_276 = tpu.memref_slice %arg7[%dma_wait3A_265, %dma_wait3A_275] : memref<4x128xi32, #tpu.memory_space<vmem>> -> memref<1x128xi32, #tpu.memory_space<vmem>>
      %dma_wait3A_277 = tpu.memref_squeeze %dma_wait3A_276 : memref<1x128xi32, #tpu.memory_space<vmem>> -> memref<128xi32, #tpu.memory_space<vmem>>
      %dma_wait3A_278 = arith.constant 0 : i32
      %dma_wait3A_279 = tpu.memref_slice %arg2[%dma_wait3A_264, %dma_wait3A_278] : memref<8192x128xi32, #tpu.memory_space<hbm>> -> memref<1x128xi32, #tpu.memory_space<hbm>>
      %dma_wait3A_280 = tpu.memref_squeeze %dma_wait3A_279 : memref<1x128xi32, #tpu.memory_space<hbm>> -> memref<128xi32, #tpu.memory_space<hbm>>
      tpu.wait_dma2 semaphore(%dma_wait3A_274 : memref<!tpu.dma_semaphore, #tpu.memory_space<semaphore_mem>>) src(%dma_wait3A_280 : memref<128xi32, #tpu.memory_space<hbm>>) dst(%dma_wait3A_277 : memref<128xi32, #tpu.memory_space<vmem>>)
      %dma_start3A_281 = arith.constant 0 : i32
      %dma_start3A_282 = arith.constant 0 : i32
      %dma_start3A_283 = arith.constant 0 : i32
      %dma_start3A_284 = arith.constant 0 : i32
      %dma_start3A_285 = arith.constant 0 : i32
      %dma_start3A_286 = tpu.memref_slice %arg8[%dma_start3A_282, %dma_start3A_284, %dma_start3A_285] : memref<4x128x64xf32, #tpu.memory_space<vmem>> -> memref<1x128x64xf32, #tpu.memory_space<vmem>>
      %dma_start3A_287 = tpu.memref_squeeze %dma_start3A_286 : memref<1x128x64xf32, #tpu.memory_space<vmem>> -> memref<128x64xf32, #tpu.memory_space<vmem>>
      %dma_start3A_288 = arith.constant 0 : i32
      %dma_start3A_289 = tpu.memref_slice %arg7[%dma_start3A_281, %dma_start3A_288] : memref<4x128xi32, #tpu.memory_space<vmem>> -> memref<1x128xi32, #tpu.memory_space<vmem>>
      %dma_start3A_290 = tpu.memref_squeeze %dma_start3A_289 : memref<1x128xi32, #tpu.memory_space<vmem>> -> memref<128xi32, #tpu.memory_space<vmem>>
      %dma_start3A_291 = arith.constant 0 : i32
      %dma_start3A_292 = arith.constant 0 : i32
      %dma_start3A_293 = tpu.memref_slice %arg3[%dma_start3A_291, %dma_start3A_292] : memref<1000000x64xf32, #tpu.memory_space<hbm>> -> memref<1000000x64xf32, #tpu.memory_space<hbm>>
      %dma_start3A_294 = tpu.memref_slice %arg9[%dma_start3A_283] : memref<4x!tpu.dma_semaphore, #tpu.memory_space<semaphore_mem>> -> memref<1x!tpu.dma_semaphore, #tpu.memory_space<semaphore_mem>>
      %dma_start3A_295 = tpu.memref_squeeze %dma_start3A_294 : memref<1x!tpu.dma_semaphore, #tpu.memory_space<semaphore_mem>> -> memref<!tpu.dma_semaphore, #tpu.memory_space<semaphore_mem>>
      tpu.enqueue_indirect_dma source(%dma_start3A_293 : memref<1000000x64xf32, #tpu.memory_space<hbm>>) target(%dma_start3A_287 : memref<128x64xf32, #tpu.memory_space<vmem>>) offsets(%dma_start3A_290 : memref<128xi32, #tpu.memory_space<vmem>>) semaphore(%dma_start3A_295 : memref<!tpu.dma_semaphore, #tpu.memory_space<semaphore_mem>>) {add = true}
      %gt3A_296 = arith.constant 0 : i32
      %gt3A_297 = arith.cmpi sgt, %scan3A_244, %gt3A_296 : i32
      %or3A = arith.constant false
      %or3A_298 = arith.ori %gt3A_297, %or3A : i1
      %convert_element_type3A_299 = arith.extui %or3A_298 : i1 to i32
      %cond3A_300 = arith.constant 0 : i32
      %cond3A_301 = arith.cmpi ne, %convert_element_type3A_299, %cond3A_300 : i32
      scf.if %cond3A_301 {
        %dma_wait3A_509 = arith.constant 2 : i32
        %dma_wait3A_510 = arith.constant 2 : i32
        %dma_wait3A_511 = arith.constant 2 : i32
        %dma_wait3A_512 = arith.constant 0 : i32
        %dma_wait3A_513 = arith.constant 0 : i32
        %dma_wait3A_514 = tpu.memref_slice %arg8[%dma_wait3A_510, %dma_wait3A_512, %dma_wait3A_513] : memref<4x128x64xf32, #tpu.memory_space<vmem>> -> memref<1x128x64xf32, #tpu.memory_space<vmem>>
        %dma_wait3A_515 = tpu.memref_squeeze %dma_wait3A_514 : memref<1x128x64xf32, #tpu.memory_space<vmem>> -> memref<128x64xf32, #tpu.memory_space<vmem>>
        %dma_wait3A_516 = arith.constant 0 : i32
        %dma_wait3A_517 = tpu.memref_slice %arg7[%dma_wait3A_509, %dma_wait3A_516] : memref<4x128xi32, #tpu.memory_space<vmem>> -> memref<1x128xi32, #tpu.memory_space<vmem>>
        %dma_wait3A_518 = tpu.memref_squeeze %dma_wait3A_517 : memref<1x128xi32, #tpu.memory_space<vmem>> -> memref<128xi32, #tpu.memory_space<vmem>>
        %dma_wait3A_519 = arith.constant 0 : i32
        %dma_wait3A_520 = arith.constant 0 : i32
        %dma_wait3A_521 = tpu.memref_slice %arg3[%dma_wait3A_519, %dma_wait3A_520] : memref<1000000x64xf32, #tpu.memory_space<hbm>> -> memref<1000000x64xf32, #tpu.memory_space<hbm>>
        %dma_wait3A_522 = tpu.memref_slice %arg9[%dma_wait3A_511] : memref<4x!tpu.dma_semaphore, #tpu.memory_space<semaphore_mem>> -> memref<1x!tpu.dma_semaphore, #tpu.memory_space<semaphore_mem>>
        %dma_wait3A_523 = tpu.memref_squeeze %dma_wait3A_522 : memref<1x!tpu.dma_semaphore, #tpu.memory_space<semaphore_mem>> -> memref<!tpu.dma_semaphore, #tpu.memory_space<semaphore_mem>>
        tpu.wait_indirect_dma semaphore(%dma_wait3A_523 : memref<!tpu.dma_semaphore, #tpu.memory_space<semaphore_mem>>) src(%dma_wait3A_521 : memref<1000000x64xf32, #tpu.memory_space<hbm>>) dst(%dma_wait3A_515 : memref<128x64xf32, #tpu.memory_space<vmem>>)
        %sub3A = arith.constant 2 : i32
        %sub3A_524 = arith.subi %add3A_248, %sub3A : i32
        %jit3A_525 = arith.constant 8 : i32
        %div3A = arith.divsi %sub3A_524, %jit3A_525 : i32
        %sign3A = arith.constant 0 : i32
        %sign3A_526 = arith.cmpi sgt, %sub3A_524, %sign3A : i32
        %sign3A_527 = arith.extui %sign3A_526 : i1 to i32
        %sign3A_528 = arith.constant 0 : i32
        %sign3A_529 = arith.cmpi slt, %sub3A_524, %sign3A_528 : i32
        %sign3A_530 = arith.extui %sign3A_529 : i1 to i32
        %sign3A_531 = arith.subi %sign3A_527, %sign3A_530 : i32
        %sign3A_532 = arith.constant 0 : i32
        %sign3A_533 = arith.cmpi sgt, %jit3A_525, %sign3A_532 : i32
        %sign3A_534 = arith.extui %sign3A_533 : i1 to i32
        %sign3A_535 = arith.constant 0 : i32
        %sign3A_536 = arith.cmpi slt, %jit3A_525, %sign3A_535 : i32
        %sign3A_537 = arith.extui %sign3A_536 : i1 to i32
        %sign3A_538 = arith.subi %sign3A_534, %sign3A_537 : i32
        %ne3A_539 = arith.cmpi ne, %sign3A_531, %sign3A_538 : i32
        %rem3A_540 = arith.remsi %sub3A_524, %jit3A_525 : i32
        %ne3A_541 = arith.constant 0 : i32
        %ne3A_542 = arith.cmpi ne, %rem3A_540, %ne3A_541 : i32
        %and3A_543 = arith.andi %ne3A_539, %ne3A_542 : i1
        %sub3A_544 = arith.constant 1 : i32
        %sub3A_545 = arith.subi %div3A, %sub3A_544 : i32
        %select_n3A_546 = arith.select %and3A_543, %sub3A_545, %div3A : i32
        %add3A_547 = arith.addi %mul3A_2, %select_n3A_546 : i32
        %jit3A_548 = arith.constant 8 : i32
        %eq3A_549 = arith.constant 0 : i32
        %eq3A_550 = arith.cmpi eq, %jit3A_548, %eq3A_549 : i32
        %jit3A_551 = arith.constant 1 : i32
        %select_n3A_552 = arith.select %eq3A_550, %jit3A_551, %jit3A_548 : i32
        %rem3A_553 = arith.remsi %sub3A_524, %select_n3A_552 : i32
        %ne3A_554 = arith.constant 0 : i32
        %ne3A_555 = arith.cmpi ne, %rem3A_553, %ne3A_554 : i32
        %lt3A_556 = arith.constant 0 : i32
        %lt3A_557 = arith.cmpi slt, %rem3A_553, %lt3A_556 : i32
        %lt3A_558 = arith.constant 0 : i32
        %lt3A_559 = arith.cmpi slt, %select_n3A_552, %lt3A_558 : i32
        %ne3A_560 = arith.xori %lt3A_557, %lt3A_559 : i1
        %and3A_561 = arith.andi %ne3A_560, %ne3A_555 : i1
        %add3A_562 = arith.addi %rem3A_553, %select_n3A_552 : i32
        %select_n3A_563 = arith.select %and3A_561, %add3A_562, %rem3A_553 : i32
        %mul3A_564 = arith.constant 128 : i32
        %mul3A_565 = arith.muli %select_n3A_563, %mul3A_564 : i32
        %dma_start3A_566 = arith.constant 2 : i32
        %dma_start3A_567 = arith.constant 2 : i32
        %dma_start3A_568 = arith.constant 0 : i32
        %dma_start3A_569 = arith.constant 0 : i32
        %dma_start3A_570 = tpu.memref_slice %arg8[%dma_start3A_566, %dma_start3A_568, %dma_start3A_569] : memref<4x128x64xf32, #tpu.memory_space<vmem>> -> memref<1x128x64xf32, #tpu.memory_space<vmem>>
        %dma_start3A_571 = tpu.memref_squeeze %dma_start3A_570 : memref<1x128x64xf32, #tpu.memory_space<vmem>> -> memref<128x64xf32, #tpu.memory_space<vmem>>
        %dma_start3A_572 = arith.constant 0 : i32
        %dma_start3A_573 = tpu.memref_slice %arg5[%add3A_547, %mul3A_565, %dma_start3A_572] : memref<1024x1024x64xf32, #tpu.memory_space<hbm>> -> memref<1x128x64xf32, #tpu.memory_space<hbm>>
        %dma_start3A_574 = tpu.memref_squeeze %dma_start3A_573 : memref<1x128x64xf32, #tpu.memory_space<hbm>> -> memref<128x64xf32, #tpu.memory_space<hbm>>
        %dma_start3A_575 = tpu.memref_slice %arg10[%dma_start3A_567] : memref<4x!tpu.dma_semaphore, #tpu.memory_space<semaphore_mem>> -> memref<1x!tpu.dma_semaphore, #tpu.memory_space<semaphore_mem>>
        %dma_start3A_576 = tpu.memref_squeeze %dma_start3A_575 : memref<1x!tpu.dma_semaphore, #tpu.memory_space<semaphore_mem>> -> memref<!tpu.dma_semaphore, #tpu.memory_space<semaphore_mem>>
        %dma_start3A_577 = arith.constant 0 : i32
        %dma_start3A_578 = tpu.memref_slice %arg5[%add3A_547, %mul3A_565, %dma_start3A_577] : memref<1024x1024x64xf32, #tpu.memory_space<hbm>> -> memref<1x128x64xf32, #tpu.memory_space<hbm>>
        %dma_start3A_579 = tpu.memref_squeeze %dma_start3A_578 : memref<1x128x64xf32, #tpu.memory_space<hbm>> -> memref<128x64xf32, #tpu.memory_space<hbm>>
        %dma_start3A_580 = arith.constant 0 : i32
        %dma_start3A_581 = arith.constant 0 : i32
        %dma_start3A_582 = tpu.memref_slice %arg8[%dma_start3A_566, %dma_start3A_580, %dma_start3A_581] : memref<4x128x64xf32, #tpu.memory_space<vmem>> -> memref<1x128x64xf32, #tpu.memory_space<vmem>>
        %dma_start3A_583 = tpu.memref_squeeze %dma_start3A_582 : memref<1x128x64xf32, #tpu.memory_space<vmem>> -> memref<128x64xf32, #tpu.memory_space<vmem>>
        tpu.enqueue_dma source(%dma_start3A_583 : memref<128x64xf32, #tpu.memory_space<vmem>>) target(%dma_start3A_579 : memref<128x64xf32, #tpu.memory_space<hbm>>) target_semaphore(%dma_start3A_576 : memref<!tpu.dma_semaphore, #tpu.memory_space<semaphore_mem>>)
        %add3A_584 = arith.constant 2 : i32
        %add3A_585 = arith.addi %add3A_248, %add3A_584 : i32
        %lt3A_586 = arith.constant 256 : i32
        %lt3A_587 = arith.cmpi slt, %add3A_585, %lt3A_586 : i32
        %convert_element_type3A_588 = arith.extui %lt3A_587 : i1 to i32
        %cond3A_589 = arith.constant 0 : i32
        %cond3A_590 = arith.cmpi ne, %convert_element_type3A_588, %cond3A_589 : i32
        scf.if %cond3A_590 {
          %add3A_591 = arith.constant 2 : i32
          %add3A_592 = arith.addi %add3A_248, %add3A_591 : i32
          %mul3A_593 = arith.constant 256 : i32
          %mul3A_594 = arith.muli %add3A, %mul3A_593 : i32
          %add3A_595 = arith.addi %mul3A_594, %add3A_592 : i32
          %dma_start3A_596 = arith.constant 2 : i32
          %dma_start3A_597 = arith.constant 2 : i32
          %dma_start3A_598 = arith.constant 0 : i32
          %dma_start3A_599 = tpu.memref_slice %arg7[%dma_start3A_596, %dma_start3A_598] : memref<4x128xi32, #tpu.memory_space<vmem>> -> memref<1x128xi32, #tpu.memory_space<vmem>>
          %dma_start3A_600 = tpu.memref_squeeze %dma_start3A_599 : memref<1x128xi32, #tpu.memory_space<vmem>> -> memref<128xi32, #tpu.memory_space<vmem>>
          %dma_start3A_601 = arith.constant 0 : i32
          %dma_start3A_602 = tpu.memref_slice %arg2[%add3A_595, %dma_start3A_601] : memref<8192x128xi32, #tpu.memory_space<hbm>> -> memref<1x128xi32, #tpu.memory_space<hbm>>
          %dma_start3A_603 = tpu.memref_squeeze %dma_start3A_602 : memref<1x128xi32, #tpu.memory_space<hbm>> -> memref<128xi32, #tpu.memory_space<hbm>>
          %dma_start3A_604 = tpu.memref_slice %arg11[%dma_start3A_597] : memref<4x!tpu.dma_semaphore, #tpu.memory_space<semaphore_mem>> -> memref<1x!tpu.dma_semaphore, #tpu.memory_space<semaphore_mem>>
          %dma_start3A_605 = tpu.memref_squeeze %dma_start3A_604 : memref<1x!tpu.dma_semaphore, #tpu.memory_space<semaphore_mem>> -> memref<!tpu.dma_semaphore, #tpu.memory_space<semaphore_mem>>
          %dma_start3A_606 = arith.constant 0 : i32
          %dma_start3A_607 = tpu.memref_slice %arg7[%dma_start3A_596, %dma_start3A_606] : memref<4x128xi32, #tpu.memory_space<vmem>> -> memref<1x128xi32, #tpu.memory_space<vmem>>
          %dma_start3A_608 = tpu.memref_squeeze %dma_start3A_607 : memref<1x128xi32, #tpu.memory_space<vmem>> -> memref<128xi32, #tpu.memory_space<vmem>>
          %dma_start3A_609 = arith.constant 0 : i32
          %dma_start3A_610 = tpu.memref_slice %arg2[%add3A_595, %dma_start3A_609] : memref<8192x128xi32, #tpu.memory_space<hbm>> -> memref<1x128xi32, #tpu.memory_space<hbm>>
          %dma_start3A_611 = tpu.memref_squeeze %dma_start3A_610 : memref<1x128xi32, #tpu.memory_space<hbm>> -> memref<128xi32, #tpu.memory_space<hbm>>
          tpu.enqueue_dma source(%dma_start3A_611 : memref<128xi32, #tpu.memory_space<hbm>>) target(%dma_start3A_608 : memref<128xi32, #tpu.memory_space<vmem>>) target_semaphore(%dma_start3A_605 : memref<!tpu.dma_semaphore, #tpu.memory_space<semaphore_mem>>)
        } else {
        }
      } else {
      }
      %mul3A_302 = arith.constant 4 : i32
      %mul3A_303 = arith.muli %scan3A_244, %mul3A_302 : i32
      %add3A_304 = arith.constant 1 : i32
      %add3A_305 = arith.addi %mul3A_303, %add3A_304 : i32
      %gt3A_306 = arith.constant 0 : i32
      %gt3A_307 = arith.cmpi sgt, %scan3A_244, %gt3A_306 : i32
      %convert_element_type3A_308 = arith.extui %gt3A_307 : i1 to i32
      %cond3A_309 = arith.constant 0 : i32
      %cond3A_310 = arith.cmpi ne, %convert_element_type3A_308, %cond3A_309 : i32
      scf.if %cond3A_310 {
        %dma_wait3A_509 = arith.constant 1 : i32
        %dma_wait3A_510 = arith.constant 0 : i32
        %dma_wait3A_511 = arith.constant 1 : i32
        %dma_wait3A_512 = arith.constant 0 : i32
        %dma_wait3A_513 = arith.constant 0 : i32
        %dma_wait3A_514 = tpu.memref_slice %arg8[%dma_wait3A_509, %dma_wait3A_512, %dma_wait3A_513] : memref<4x128x64xf32, #tpu.memory_space<vmem>> -> memref<1x128x64xf32, #tpu.memory_space<vmem>>
        %dma_wait3A_515 = tpu.memref_squeeze %dma_wait3A_514 : memref<1x128x64xf32, #tpu.memory_space<vmem>> -> memref<128x64xf32, #tpu.memory_space<vmem>>
        %dma_wait3A_516 = arith.constant 0 : i32
        %dma_wait3A_517 = arith.constant 0 : i32
        %dma_wait3A_518 = tpu.memref_slice %arg5[%dma_wait3A_510, %dma_wait3A_516, %dma_wait3A_517] : memref<1024x1024x64xf32, #tpu.memory_space<hbm>> -> memref<1x128x64xf32, #tpu.memory_space<hbm>>
        %dma_wait3A_519 = tpu.memref_squeeze %dma_wait3A_518 : memref<1x128x64xf32, #tpu.memory_space<hbm>> -> memref<128x64xf32, #tpu.memory_space<hbm>>
        %dma_wait3A_520 = tpu.memref_slice %arg10[%dma_wait3A_511] : memref<4x!tpu.dma_semaphore, #tpu.memory_space<semaphore_mem>> -> memref<1x!tpu.dma_semaphore, #tpu.memory_space<semaphore_mem>>
        %dma_wait3A_521 = tpu.memref_squeeze %dma_wait3A_520 : memref<1x!tpu.dma_semaphore, #tpu.memory_space<semaphore_mem>> -> memref<!tpu.dma_semaphore, #tpu.memory_space<semaphore_mem>>
        %dma_wait3A_522 = arith.constant 0 : i32
        %dma_wait3A_523 = arith.constant 0 : i32
        %dma_wait3A_524 = tpu.memref_slice %arg5[%dma_wait3A_510, %dma_wait3A_522, %dma_wait3A_523] : memref<1024x1024x64xf32, #tpu.memory_space<hbm>> -> memref<1x128x64xf32, #tpu.memory_space<hbm>>
        %dma_wait3A_525 = tpu.memref_squeeze %dma_wait3A_524 : memref<1x128x64xf32, #tpu.memory_space<hbm>> -> memref<128x64xf32, #tpu.memory_space<hbm>>
        %dma_wait3A_526 = arith.constant 0 : i32
        %dma_wait3A_527 = arith.constant 0 : i32
        %dma_wait3A_528 = tpu.memref_slice %arg8[%dma_wait3A_509, %dma_wait3A_526, %dma_wait3A_527] : memref<4x128x64xf32, #tpu.memory_space<vmem>> -> memref<1x128x64xf32, #tpu.memory_space<vmem>>
        %dma_wait3A_529 = tpu.memref_squeeze %dma_wait3A_528 : memref<1x128x64xf32, #tpu.memory_space<vmem>> -> memref<128x64xf32, #tpu.memory_space<vmem>>
        tpu.wait_dma2 semaphore(%dma_wait3A_521 : memref<!tpu.dma_semaphore, #tpu.memory_space<semaphore_mem>>) src(%dma_wait3A_529 : memref<128x64xf32, #tpu.memory_space<vmem>>) dst(%dma_wait3A_525 : memref<128x64xf32, #tpu.memory_space<hbm>>)
      } else {
      }
      %jit3A_311 = arith.constant 8 : i32
      %eq3A_312 = arith.constant 0 : i32
      %eq3A_313 = arith.cmpi eq, %jit3A_311, %eq3A_312 : i32
      %jit3A_314 = arith.constant 1 : i32
      %select_n3A_315 = arith.select %eq3A_313, %jit3A_314, %jit3A_311 : i32
      %rem3A_316 = arith.remsi %add3A_305, %select_n3A_315 : i32
      %ne3A_317 = arith.constant 0 : i32
      %ne3A_318 = arith.cmpi ne, %rem3A_316, %ne3A_317 : i32
      %lt3A_319 = arith.constant 0 : i32
      %lt3A_320 = arith.cmpi slt, %rem3A_316, %lt3A_319 : i32
      %lt3A_321 = arith.constant 0 : i32
      %lt3A_322 = arith.cmpi slt, %select_n3A_315, %lt3A_321 : i32
      %ne3A_323 = arith.xori %lt3A_320, %lt3A_322 : i1
      %and3A_324 = arith.andi %ne3A_323, %ne3A_318 : i1
      %add3A_325 = arith.addi %rem3A_316, %select_n3A_315 : i32
      %select_n3A_326 = arith.select %and3A_324, %add3A_325, %rem3A_316 : i32
      %mul3A_327 = arith.constant 128 : i32
      %mul3A_328 = arith.muli %select_n3A_326, %mul3A_327 : i32
      %parallel_loop3A_329 = arith.constant 0 : i32
      %parallel_loop3A_330 = arith.constant 128 : i32
      %parallel_loop3A_331 = arith.constant 1 : i32
      scf.for %parallel_loop3A_509 = %parallel_loop3A_329 to %parallel_loop3A_330 step %parallel_loop3A_331  : i32 {
        %parallel_loop3A_510 = arith.addi %mul3A_328, %parallel_loop3A_509 : i32
        %parallel_loop3A_511 = arith.index_cast %parallel_loop3A_510 : i32 to index
        %parallel_loop3A_512 = arith.constant 0 : index
        %parallel_loop3A_513 = tpu.vector_load %arg6[%parallel_loop3A_511, %parallel_loop3A_512] {strides = array<i32>} : memref<1024x64xf32, #tpu.memory_space<vmem>>, vector<1x16xf32>,
        %parallel_loop3A_514 = vector.shape_cast %parallel_loop3A_513 : vector<1x16xf32> to vector<16xf32>
        %parallel_loop3A_515 = arith.constant 1 : i32
        %parallel_loop3A_516 = arith.index_cast %parallel_loop3A_515 : i32 to index
        %parallel_loop3A_517 = arith.index_cast %parallel_loop3A_509 : i32 to index
        %parallel_loop3A_518 = arith.constant 0 : index
        %parallel_loop3A_519 = tpu.vector_load %arg8[%parallel_loop3A_516, %parallel_loop3A_517, %parallel_loop3A_518] {strides = array<i32>} : memref<4x128x64xf32, #tpu.memory_space<vmem>>, vector<1x1x16xf32>,
        %parallel_loop3A_520 = vector.shape_cast %parallel_loop3A_519 : vector<1x1x16xf32> to vector<16xf32>
        %parallel_loop3A_521 = vector.shape_cast %parallel_loop3A_514 : vector<16xf32> to vector<1x1x16xf32>
        tpu.vector_store %arg8[%parallel_loop3A_516, %parallel_loop3A_517, %parallel_loop3A_518], %parallel_loop3A_521 {strides = array<i32>} : memref<4x128x64xf32, #tpu.memory_space<vmem>>, vector<1x1x16xf32>,
        %parallel_loop3A_522 = arith.addi %mul3A_328, %parallel_loop3A_509 : i32
        %parallel_loop3A_523 = arith.index_cast %parallel_loop3A_522 : i32 to index
        %parallel_loop3A_524 = arith.constant 16 : index
        %parallel_loop3A_525 = tpu.vector_load %arg6[%parallel_loop3A_523, %parallel_loop3A_524] {strides = array<i32>} : memref<1024x64xf32, #tpu.memory_space<vmem>>, vector<1x16xf32>,
        %parallel_loop3A_526 = vector.shape_cast %parallel_loop3A_525 : vector<1x16xf32> to vector<16xf32>
        %parallel_loop3A_527 = arith.constant 1 : i32
        %parallel_loop3A_528 = arith.index_cast %parallel_loop3A_527 : i32 to index
        %parallel_loop3A_529 = arith.index_cast %parallel_loop3A_509 : i32 to index
        %parallel_loop3A_530 = arith.constant 16 : index
        %parallel_loop3A_531 = tpu.vector_load %arg8[%parallel_loop3A_528, %parallel_loop3A_529, %parallel_loop3A_530] {strides = array<i32>} : memref<4x128x64xf32, #tpu.memory_space<vmem>>, vector<1x1x16xf32>,
        %parallel_loop3A_532 = vector.shape_cast %parallel_loop3A_531 : vector<1x1x16xf32> to vector<16xf32>
        %parallel_loop3A_533 = vector.shape_cast %parallel_loop3A_526 : vector<16xf32> to vector<1x1x16xf32>
        tpu.vector_store %arg8[%parallel_loop3A_528, %parallel_loop3A_529, %parallel_loop3A_530], %parallel_loop3A_533 {strides = array<i32>} : memref<4x128x64xf32, #tpu.memory_space<vmem>>, vector<1x1x16xf32>,
        %parallel_loop3A_534 = arith.addi %mul3A_328, %parallel_loop3A_509 : i32
        %parallel_loop3A_535 = arith.index_cast %parallel_loop3A_534 : i32 to index
        %parallel_loop3A_536 = arith.constant 32 : index
        %parallel_loop3A_537 = tpu.vector_load %arg6[%parallel_loop3A_535, %parallel_loop3A_536] {strides = array<i32>} : memref<1024x64xf32, #tpu.memory_space<vmem>>, vector<1x16xf32>,
        %parallel_loop3A_538 = vector.shape_cast %parallel_loop3A_537 : vector<1x16xf32> to vector<16xf32>
        %parallel_loop3A_539 = arith.constant 1 : i32
        %parallel_loop3A_540 = arith.index_cast %parallel_loop3A_539 : i32 to index
        %parallel_loop3A_541 = arith.index_cast %parallel_loop3A_509 : i32 to index
        %parallel_loop3A_542 = arith.constant 32 : index
        %parallel_loop3A_543 = tpu.vector_load %arg8[%parallel_loop3A_540, %parallel_loop3A_541, %parallel_loop3A_542] {strides = array<i32>} : memref<4x128x64xf32, #tpu.memory_space<vmem>>, vector<1x1x16xf32>,
        %parallel_loop3A_544 = vector.shape_cast %parallel_loop3A_543 : vector<1x1x16xf32> to vector<16xf32>
        %parallel_loop3A_545 = vector.shape_cast %parallel_loop3A_538 : vector<16xf32> to vector<1x1x16xf32>
        tpu.vector_store %arg8[%parallel_loop3A_540, %parallel_loop3A_541, %parallel_loop3A_542], %parallel_loop3A_545 {strides = array<i32>} : memref<4x128x64xf32, #tpu.memory_space<vmem>>, vector<1x1x16xf32>,
        %parallel_loop3A_546 = arith.addi %mul3A_328, %parallel_loop3A_509 : i32
        %parallel_loop3A_547 = arith.index_cast %parallel_loop3A_546 : i32 to index
        %parallel_loop3A_548 = arith.constant 48 : index
        %parallel_loop3A_549 = tpu.vector_load %arg6[%parallel_loop3A_547, %parallel_loop3A_548] {strides = array<i32>} : memref<1024x64xf32, #tpu.memory_space<vmem>>, vector<1x16xf32>,
        %parallel_loop3A_550 = vector.shape_cast %parallel_loop3A_549 : vector<1x16xf32> to vector<16xf32>
        %parallel_loop3A_551 = arith.constant 1 : i32
        %parallel_loop3A_552 = arith.index_cast %parallel_loop3A_551 : i32 to index
        %parallel_loop3A_553 = arith.index_cast %parallel_loop3A_509 : i32 to index
        %parallel_loop3A_554 = arith.constant 48 : index
        %parallel_loop3A_555 = tpu.vector_load %arg8[%parallel_loop3A_552, %parallel_loop3A_553, %parallel_loop3A_554] {strides = array<i32>} : memref<4x128x64xf32, #tpu.memory_space<vmem>>, vector<1x1x16xf32>,
        %parallel_loop3A_556 = vector.shape_cast %parallel_loop3A_555 : vector<1x1x16xf32> to vector<16xf32>
        %parallel_loop3A_557 = vector.shape_cast %parallel_loop3A_550 : vector<16xf32> to vector<1x1x16xf32>
        tpu.vector_store %arg8[%parallel_loop3A_552, %parallel_loop3A_553, %parallel_loop3A_554], %parallel_loop3A_557 {strides = array<i32>} : memref<4x128x64xf32, #tpu.memory_space<vmem>>, vector<1x1x16xf32>,
      } {sc.loop_unroll_factor = 4 : i64, sc.parallel_access}
      %dma_wait3A_332 = arith.constant 0 : i32
      %dma_wait3A_333 = arith.constant 1 : i32
      %dma_wait3A_334 = arith.constant 1 : i32
      %dma_wait3A_335 = arith.constant 0 : i32
      %dma_wait3A_336 = tpu.memref_slice %arg7[%dma_wait3A_333, %dma_wait3A_335] : memref<4x128xi32, #tpu.memory_space<vmem>> -> memref<1x128xi32, #tpu.memory_space<vmem>>
      %dma_wait3A_337 = tpu.memref_squeeze %dma_wait3A_336 : memref<1x128xi32, #tpu.memory_space<vmem>> -> memref<128xi32, #tpu.memory_space<vmem>>
      %dma_wait3A_338 = arith.constant 0 : i32
      %dma_wait3A_339 = tpu.memref_slice %arg2[%dma_wait3A_332, %dma_wait3A_338] : memref<8192x128xi32, #tpu.memory_space<hbm>> -> memref<1x128xi32, #tpu.memory_space<hbm>>
      %dma_wait3A_340 = tpu.memref_squeeze %dma_wait3A_339 : memref<1x128xi32, #tpu.memory_space<hbm>> -> memref<128xi32, #tpu.memory_space<hbm>>
      %dma_wait3A_341 = tpu.memref_slice %arg11[%dma_wait3A_334] : memref<4x!tpu.dma_semaphore, #tpu.memory_space<semaphore_mem>> -> memref<1x!tpu.dma_semaphore, #tpu.memory_space<semaphore_mem>>
      %dma_wait3A_342 = tpu.memref_squeeze %dma_wait3A_341 : memref<1x!tpu.dma_semaphore, #tpu.memory_space<semaphore_mem>> -> memref<!tpu.dma_semaphore, #tpu.memory_space<semaphore_mem>>
      %dma_wait3A_343 = arith.constant 0 : i32
      %dma_wait3A_344 = tpu.memref_slice %arg7[%dma_wait3A_333, %dma_wait3A_343] : memref<4x128xi32, #tpu.memory_space<vmem>> -> memref<1x128xi32, #tpu.memory_space<vmem>>
      %dma_wait3A_345 = tpu.memref_squeeze %dma_wait3A_344 : memref<1x128xi32, #tpu.memory_space<vmem>> -> memref<128xi32, #tpu.memory_space<vmem>>
      %dma_wait3A_346 = arith.constant 0 : i32
      %dma_wait3A_347 = tpu.memref_slice %arg2[%dma_wait3A_332, %dma_wait3A_346] : memref<8192x128xi32, #tpu.memory_space<hbm>> -> memref<1x128xi32, #tpu.memory_space<hbm>>
      %dma_wait3A_348 = tpu.memref_squeeze %dma_wait3A_347 : memref<1x128xi32, #tpu.memory_space<hbm>> -> memref<128xi32, #tpu.memory_space<hbm>>
      tpu.wait_dma2 semaphore(%dma_wait3A_342 : memref<!tpu.dma_semaphore, #tpu.memory_space<semaphore_mem>>) src(%dma_wait3A_348 : memref<128xi32, #tpu.memory_space<hbm>>) dst(%dma_wait3A_345 : memref<128xi32, #tpu.memory_space<vmem>>)
      %dma_start3A_349 = arith.constant 1 : i32
      %dma_start3A_350 = arith.constant 1 : i32
      %dma_start3A_351 = arith.constant 1 : i32
      %dma_start3A_352 = arith.constant 0 : i32
      %dma_start3A_353 = arith.constant 0 : i32
      %dma_start3A_354 = tpu.memref_slice %arg8[%dma_start3A_350, %dma_start3A_352, %dma_start3A_353] : memref<4x128x64xf32, #tpu.memory_space<vmem>> -> memref<1x128x64xf32, #tpu.memory_space<vmem>>
      %dma_start3A_355 = tpu.memref_squeeze %dma_start3A_354 : memref<1x128x64xf32, #tpu.memory_space<vmem>> -> memref<128x64xf32, #tpu.memory_space<vmem>>
      %dma_start3A_356 = arith.constant 0 : i32
      %dma_start3A_357 = tpu.memref_slice %arg7[%dma_start3A_349, %dma_start3A_356] : memref<4x128xi32, #tpu.memory_space<vmem>> -> memref<1x128xi32, #tpu.memory_space<vmem>>
      %dma_start3A_358 = tpu.memref_squeeze %dma_start3A_357 : memref<1x128xi32, #tpu.memory_space<vmem>> -> memref<128xi32, #tpu.memory_space<vmem>>
      %dma_start3A_359 = arith.constant 0 : i32
      %dma_start3A_360 = arith.constant 0 : i32
      %dma_start3A_361 = tpu.memref_slice %arg3[%dma_start3A_359, %dma_start3A_360] : memref<1000000x64xf32, #tpu.memory_space<hbm>> -> memref<1000000x64xf32, #tpu.memory_space<hbm>>
      %dma_start3A_362 = tpu.memref_slice %arg9[%dma_start3A_351] : memref<4x!tpu.dma_semaphore, #tpu.memory_space<semaphore_mem>> -> memref<1x!tpu.dma_semaphore, #tpu.memory_space<semaphore_mem>>
      %dma_start3A_363 = tpu.memref_squeeze %dma_start3A_362 : memref<1x!tpu.dma_semaphore, #tpu.memory_space<semaphore_mem>> -> memref<!tpu.dma_semaphore, #tpu.memory_space<semaphore_mem>>
      tpu.enqueue_indirect_dma source(%dma_start3A_361 : memref<1000000x64xf32, #tpu.memory_space<hbm>>) target(%dma_start3A_355 : memref<128x64xf32, #tpu.memory_space<vmem>>) offsets(%dma_start3A_358 : memref<128xi32, #tpu.memory_space<vmem>>) semaphore(%dma_start3A_363 : memref<!tpu.dma_semaphore, #tpu.memory_space<semaphore_mem>>) {add = true}
      %gt3A_364 = arith.constant 0 : i32
      %gt3A_365 = arith.cmpi sgt, %scan3A_244, %gt3A_364 : i32
      %or3A_366 = arith.constant false
      %or3A_367 = arith.ori %gt3A_365, %or3A_366 : i1
      %convert_element_type3A_368 = arith.extui %or3A_367 : i1 to i32
      %cond3A_369 = arith.constant 0 : i32
      %cond3A_370 = arith.cmpi ne, %convert_element_type3A_368, %cond3A_369 : i32
      scf.if %cond3A_370 {
        %dma_wait3A_509 = arith.constant 3 : i32
        %dma_wait3A_510 = arith.constant 3 : i32
        %dma_wait3A_511 = arith.constant 3 : i32
        %dma_wait3A_512 = arith.constant 0 : i32
        %dma_wait3A_513 = arith.constant 0 : i32
        %dma_wait3A_514 = tpu.memref_slice %arg8[%dma_wait3A_510, %dma_wait3A_512, %dma_wait3A_513] : memref<4x128x64xf32, #tpu.memory_space<vmem>> -> memref<1x128x64xf32, #tpu.memory_space<vmem>>
        %dma_wait3A_515 = tpu.memref_squeeze %dma_wait3A_514 : memref<1x128x64xf32, #tpu.memory_space<vmem>> -> memref<128x64xf32, #tpu.memory_space<vmem>>
        %dma_wait3A_516 = arith.constant 0 : i32
        %dma_wait3A_517 = tpu.memref_slice %arg7[%dma_wait3A_509, %dma_wait3A_516] : memref<4x128xi32, #tpu.memory_space<vmem>> -> memref<1x128xi32, #tpu.memory_space<vmem>>
        %dma_wait3A_518 = tpu.memref_squeeze %dma_wait3A_517 : memref<1x128xi32, #tpu.memory_space<vmem>> -> memref<128xi32, #tpu.memory_space<vmem>>
        %dma_wait3A_519 = arith.constant 0 : i32
        %dma_wait3A_520 = arith.constant 0 : i32
        %dma_wait3A_521 = tpu.memref_slice %arg3[%dma_wait3A_519, %dma_wait3A_520] : memref<1000000x64xf32, #tpu.memory_space<hbm>> -> memref<1000000x64xf32, #tpu.memory_space<hbm>>
        %dma_wait3A_522 = tpu.memref_slice %arg9[%dma_wait3A_511] : memref<4x!tpu.dma_semaphore, #tpu.memory_space<semaphore_mem>> -> memref<1x!tpu.dma_semaphore, #tpu.memory_space<semaphore_mem>>
        %dma_wait3A_523 = tpu.memref_squeeze %dma_wait3A_522 : memref<1x!tpu.dma_semaphore, #tpu.memory_space<semaphore_mem>> -> memref<!tpu.dma_semaphore, #tpu.memory_space<semaphore_mem>>
        tpu.wait_indirect_dma semaphore(%dma_wait3A_523 : memref<!tpu.dma_semaphore, #tpu.memory_space<semaphore_mem>>) src(%dma_wait3A_521 : memref<1000000x64xf32, #tpu.memory_space<hbm>>) dst(%dma_wait3A_515 : memref<128x64xf32, #tpu.memory_space<vmem>>)
        %sub3A = arith.constant 2 : i32
        %sub3A_524 = arith.subi %add3A_305, %sub3A : i32
        %jit3A_525 = arith.constant 8 : i32
        %div3A = arith.divsi %sub3A_524, %jit3A_525 : i32
        %sign3A = arith.constant 0 : i32
        %sign3A_526 = arith.cmpi sgt, %sub3A_524, %sign3A : i32
        %sign3A_527 = arith.extui %sign3A_526 : i1 to i32
        %sign3A_528 = arith.constant 0 : i32
        %sign3A_529 = arith.cmpi slt, %sub3A_524, %sign3A_528 : i32
        %sign3A_530 = arith.extui %sign3A_529 : i1 to i32
        %sign3A_531 = arith.subi %sign3A_527, %sign3A_530 : i32
        %sign3A_532 = arith.constant 0 : i32
        %sign3A_533 = arith.cmpi sgt, %jit3A_525, %sign3A_532 : i32
        %sign3A_534 = arith.extui %sign3A_533 : i1 to i32
        %sign3A_535 = arith.constant 0 : i32
        %sign3A_536 = arith.cmpi slt, %jit3A_525, %sign3A_535 : i32
        %sign3A_537 = arith.extui %sign3A_536 : i1 to i32
        %sign3A_538 = arith.subi %sign3A_534, %sign3A_537 : i32
        %ne3A_539 = arith.cmpi ne, %sign3A_531, %sign3A_538 : i32
        %rem3A_540 = arith.remsi %sub3A_524, %jit3A_525 : i32
        %ne3A_541 = arith.constant 0 : i32
        %ne3A_542 = arith.cmpi ne, %rem3A_540, %ne3A_541 : i32
        %and3A_543 = arith.andi %ne3A_539, %ne3A_542 : i1
        %sub3A_544 = arith.constant 1 : i32
        %sub3A_545 = arith.subi %div3A, %sub3A_544 : i32
        %select_n3A_546 = arith.select %and3A_543, %sub3A_545, %div3A : i32
        %add3A_547 = arith.addi %mul3A_2, %select_n3A_546 : i32
        %jit3A_548 = arith.constant 8 : i32
        %eq3A_549 = arith.constant 0 : i32
        %eq3A_550 = arith.cmpi eq, %jit3A_548, %eq3A_549 : i32
        %jit3A_551 = arith.constant 1 : i32
        %select_n3A_552 = arith.select %eq3A_550, %jit3A_551, %jit3A_548 : i32
        %rem3A_553 = arith.remsi %sub3A_524, %select_n3A_552 : i32
        %ne3A_554 = arith.constant 0 : i32
        %ne3A_555 = arith.cmpi ne, %rem3A_553, %ne3A_554 : i32
        %lt3A_556 = arith.constant 0 : i32
        %lt3A_557 = arith.cmpi slt, %rem3A_553, %lt3A_556 : i32
        %lt3A_558 = arith.constant 0 : i32
        %lt3A_559 = arith.cmpi slt, %select_n3A_552, %lt3A_558 : i32
        %ne3A_560 = arith.xori %lt3A_557, %lt3A_559 : i1
        %and3A_561 = arith.andi %ne3A_560, %ne3A_555 : i1
        %add3A_562 = arith.addi %rem3A_553, %select_n3A_552 : i32
        %select_n3A_563 = arith.select %and3A_561, %add3A_562, %rem3A_553 : i32
        %mul3A_564 = arith.constant 128 : i32
        %mul3A_565 = arith.muli %select_n3A_563, %mul3A_564 : i32
        %dma_start3A_566 = arith.constant 3 : i32
        %dma_start3A_567 = arith.constant 3 : i32
        %dma_start3A_568 = arith.constant 0 : i32
        %dma_start3A_569 = arith.constant 0 : i32
        %dma_start3A_570 = tpu.memref_slice %arg8[%dma_start3A_566, %dma_start3A_568, %dma_start3A_569] : memref<4x128x64xf32, #tpu.memory_space<vmem>> -> memref<1x128x64xf32, #tpu.memory_space<vmem>>
        %dma_start3A_571 = tpu.memref_squeeze %dma_start3A_570 : memref<1x128x64xf32, #tpu.memory_space<vmem>> -> memref<128x64xf32, #tpu.memory_space<vmem>>
        %dma_start3A_572 = arith.constant 0 : i32
        %dma_start3A_573 = tpu.memref_slice %arg5[%add3A_547, %mul3A_565, %dma_start3A_572] : memref<1024x1024x64xf32, #tpu.memory_space<hbm>> -> memref<1x128x64xf32, #tpu.memory_space<hbm>>
        %dma_start3A_574 = tpu.memref_squeeze %dma_start3A_573 : memref<1x128x64xf32, #tpu.memory_space<hbm>> -> memref<128x64xf32, #tpu.memory_space<hbm>>
        %dma_start3A_575 = tpu.memref_slice %arg10[%dma_start3A_567] : memref<4x!tpu.dma_semaphore, #tpu.memory_space<semaphore_mem>> -> memref<1x!tpu.dma_semaphore, #tpu.memory_space<semaphore_mem>>
        %dma_start3A_576 = tpu.memref_squeeze %dma_start3A_575 : memref<1x!tpu.dma_semaphore, #tpu.memory_space<semaphore_mem>> -> memref<!tpu.dma_semaphore, #tpu.memory_space<semaphore_mem>>
        %dma_start3A_577 = arith.constant 0 : i32
        %dma_start3A_578 = tpu.memref_slice %arg5[%add3A_547, %mul3A_565, %dma_start3A_577] : memref<1024x1024x64xf32, #tpu.memory_space<hbm>> -> memref<1x128x64xf32, #tpu.memory_space<hbm>>
        %dma_start3A_579 = tpu.memref_squeeze %dma_start3A_578 : memref<1x128x64xf32, #tpu.memory_space<hbm>> -> memref<128x64xf32, #tpu.memory_space<hbm>>
        %dma_start3A_580 = arith.constant 0 : i32
        %dma_start3A_581 = arith.constant 0 : i32
        %dma_start3A_582 = tpu.memref_slice %arg8[%dma_start3A_566, %dma_start3A_580, %dma_start3A_581] : memref<4x128x64xf32, #tpu.memory_space<vmem>> -> memref<1x128x64xf32, #tpu.memory_space<vmem>>
        %dma_start3A_583 = tpu.memref_squeeze %dma_start3A_582 : memref<1x128x64xf32, #tpu.memory_space<vmem>> -> memref<128x64xf32, #tpu.memory_space<vmem>>
        tpu.enqueue_dma source(%dma_start3A_583 : memref<128x64xf32, #tpu.memory_space<vmem>>) target(%dma_start3A_579 : memref<128x64xf32, #tpu.memory_space<hbm>>) target_semaphore(%dma_start3A_576 : memref<!tpu.dma_semaphore, #tpu.memory_space<semaphore_mem>>)
        %add3A_584 = arith.constant 2 : i32
        %add3A_585 = arith.addi %add3A_305, %add3A_584 : i32
        %lt3A_586 = arith.constant 256 : i32
        %lt3A_587 = arith.cmpi slt, %add3A_585, %lt3A_586 : i32
        %convert_element_type3A_588 = arith.extui %lt3A_587 : i1 to i32
        %cond3A_589 = arith.constant 0 : i32
        %cond3A_590 = arith.cmpi ne, %convert_element_type3A_588, %cond3A_589 : i32
        scf.if %cond3A_590 {
          %add3A_591 = arith.constant 2 : i32
          %add3A_592 = arith.addi %add3A_305, %add3A_591 : i32
          %mul3A_593 = arith.constant 256 : i32
          %mul3A_594 = arith.muli %add3A, %mul3A_593 : i32
          %add3A_595 = arith.addi %mul3A_594, %add3A_592 : i32
          %dma_start3A_596 = arith.constant 3 : i32
          %dma_start3A_597 = arith.constant 3 : i32
          %dma_start3A_598 = arith.constant 0 : i32
          %dma_start3A_599 = tpu.memref_slice %arg7[%dma_start3A_596, %dma_start3A_598] : memref<4x128xi32, #tpu.memory_space<vmem>> -> memref<1x128xi32, #tpu.memory_space<vmem>>
          %dma_start3A_600 = tpu.memref_squeeze %dma_start3A_599 : memref<1x128xi32, #tpu.memory_space<vmem>> -> memref<128xi32, #tpu.memory_space<vmem>>
          %dma_start3A_601 = arith.constant 0 : i32
          %dma_start3A_602 = tpu.memref_slice %arg2[%add3A_595, %dma_start3A_601] : memref<8192x128xi32, #tpu.memory_space<hbm>> -> memref<1x128xi32, #tpu.memory_space<hbm>>
          %dma_start3A_603 = tpu.memref_squeeze %dma_start3A_602 : memref<1x128xi32, #tpu.memory_space<hbm>> -> memref<128xi32, #tpu.memory_space<hbm>>
          %dma_start3A_604 = tpu.memref_slice %arg11[%dma_start3A_597] : memref<4x!tpu.dma_semaphore, #tpu.memory_space<semaphore_mem>> -> memref<1x!tpu.dma_semaphore, #tpu.memory_space<semaphore_mem>>
          %dma_start3A_605 = tpu.memref_squeeze %dma_start3A_604 : memref<1x!tpu.dma_semaphore, #tpu.memory_space<semaphore_mem>> -> memref<!tpu.dma_semaphore, #tpu.memory_space<semaphore_mem>>
          %dma_start3A_606 = arith.constant 0 : i32
          %dma_start3A_607 = tpu.memref_slice %arg7[%dma_start3A_596, %dma_start3A_606] : memref<4x128xi32, #tpu.memory_space<vmem>> -> memref<1x128xi32, #tpu.memory_space<vmem>>
          %dma_start3A_608 = tpu.memref_squeeze %dma_start3A_607 : memref<1x128xi32, #tpu.memory_space<vmem>> -> memref<128xi32, #tpu.memory_space<vmem>>
          %dma_start3A_609 = arith.constant 0 : i32
          %dma_start3A_610 = tpu.memref_slice %arg2[%add3A_595, %dma_start3A_609] : memref<8192x128xi32, #tpu.memory_space<hbm>> -> memref<1x128xi32, #tpu.memory_space<hbm>>
          %dma_start3A_611 = tpu.memref_squeeze %dma_start3A_610 : memref<1x128xi32, #tpu.memory_space<hbm>> -> memref<128xi32, #tpu.memory_space<hbm>>
          tpu.enqueue_dma source(%dma_start3A_611 : memref<128xi32, #tpu.memory_space<hbm>>) target(%dma_start3A_608 : memref<128xi32, #tpu.memory_space<vmem>>) target_semaphore(%dma_start3A_605 : memref<!tpu.dma_semaphore, #tpu.memory_space<semaphore_mem>>)
        } else {
        }
      } else {
      }
      %mul3A_371 = arith.constant 4 : i32
      %mul3A_372 = arith.muli %scan3A_244, %mul3A_371 : i32
      %add3A_373 = arith.constant 2 : i32
      %add3A_374 = arith.addi %mul3A_372, %add3A_373 : i32
      %gt3A_375 = arith.constant 0 : i32
      %gt3A_376 = arith.cmpi sgt, %scan3A_244, %gt3A_375 : i32
      %convert_element_type3A_377 = arith.extui %gt3A_376 : i1 to i32
      %cond3A_378 = arith.constant 0 : i32
      %cond3A_379 = arith.cmpi ne, %convert_element_type3A_377, %cond3A_378 : i32
      scf.if %cond3A_379 {
        %dma_wait3A_509 = arith.constant 2 : i32
        %dma_wait3A_510 = arith.constant 0 : i32
        %dma_wait3A_511 = arith.constant 2 : i32
        %dma_wait3A_512 = arith.constant 0 : i32
        %dma_wait3A_513 = arith.constant 0 : i32
        %dma_wait3A_514 = tpu.memref_slice %arg8[%dma_wait3A_509, %dma_wait3A_512, %dma_wait3A_513] : memref<4x128x64xf32, #tpu.memory_space<vmem>> -> memref<1x128x64xf32, #tpu.memory_space<vmem>>
        %dma_wait3A_515 = tpu.memref_squeeze %dma_wait3A_514 : memref<1x128x64xf32, #tpu.memory_space<vmem>> -> memref<128x64xf32, #tpu.memory_space<vmem>>
        %dma_wait3A_516 = arith.constant 0 : i32
        %dma_wait3A_517 = arith.constant 0 : i32
        %dma_wait3A_518 = tpu.memref_slice %arg5[%dma_wait3A_510, %dma_wait3A_516, %dma_wait3A_517] : memref<1024x1024x64xf32, #tpu.memory_space<hbm>> -> memref<1x128x64xf32, #tpu.memory_space<hbm>>
        %dma_wait3A_519 = tpu.memref_squeeze %dma_wait3A_518 : memref<1x128x64xf32, #tpu.memory_space<hbm>> -> memref<128x64xf32, #tpu.memory_space<hbm>>
        %dma_wait3A_520 = tpu.memref_slice %arg10[%dma_wait3A_511] : memref<4x!tpu.dma_semaphore, #tpu.memory_space<semaphore_mem>> -> memref<1x!tpu.dma_semaphore, #tpu.memory_space<semaphore_mem>>
        %dma_wait3A_521 = tpu.memref_squeeze %dma_wait3A_520 : memref<1x!tpu.dma_semaphore, #tpu.memory_space<semaphore_mem>> -> memref<!tpu.dma_semaphore, #tpu.memory_space<semaphore_mem>>
        %dma_wait3A_522 = arith.constant 0 : i32
        %dma_wait3A_523 = arith.constant 0 : i32
        %dma_wait3A_524 = tpu.memref_slice %arg5[%dma_wait3A_510, %dma_wait3A_522, %dma_wait3A_523] : memref<1024x1024x64xf32, #tpu.memory_space<hbm>> -> memref<1x128x64xf32, #tpu.memory_space<hbm>>
        %dma_wait3A_525 = tpu.memref_squeeze %dma_wait3A_524 : memref<1x128x64xf32, #tpu.memory_space<hbm>> -> memref<128x64xf32, #tpu.memory_space<hbm>>
        %dma_wait3A_526 = arith.constant 0 : i32
        %dma_wait3A_527 = arith.constant 0 : i32
        %dma_wait3A_528 = tpu.memref_slice %arg8[%dma_wait3A_509, %dma_wait3A_526, %dma_wait3A_527] : memref<4x128x64xf32, #tpu.memory_space<vmem>> -> memref<1x128x64xf32, #tpu.memory_space<vmem>>
        %dma_wait3A_529 = tpu.memref_squeeze %dma_wait3A_528 : memref<1x128x64xf32, #tpu.memory_space<vmem>> -> memref<128x64xf32, #tpu.memory_space<vmem>>
        tpu.wait_dma2 semaphore(%dma_wait3A_521 : memref<!tpu.dma_semaphore, #tpu.memory_space<semaphore_mem>>) src(%dma_wait3A_529 : memref<128x64xf32, #tpu.memory_space<vmem>>) dst(%dma_wait3A_525 : memref<128x64xf32, #tpu.memory_space<hbm>>)
      } else {
      }
      %jit3A_380 = arith.constant 8 : i32
      %eq3A_381 = arith.constant 0 : i32
      %eq3A_382 = arith.cmpi eq, %jit3A_380, %eq3A_381 : i32
      %jit3A_383 = arith.constant 1 : i32
      %select_n3A_384 = arith.select %eq3A_382, %jit3A_383, %jit3A_380 : i32
      %rem3A_385 = arith.remsi %add3A_374, %select_n3A_384 : i32
      %ne3A_386 = arith.constant 0 : i32
      %ne3A_387 = arith.cmpi ne, %rem3A_385, %ne3A_386 : i32
      %lt3A_388 = arith.constant 0 : i32
      %lt3A_389 = arith.cmpi slt, %rem3A_385, %lt3A_388 : i32
      %lt3A_390 = arith.constant 0 : i32
      %lt3A_391 = arith.cmpi slt, %select_n3A_384, %lt3A_390 : i32
      %ne3A_392 = arith.xori %lt3A_389, %lt3A_391 : i1
      %and3A_393 = arith.andi %ne3A_392, %ne3A_387 : i1
      %add3A_394 = arith.addi %rem3A_385, %select_n3A_384 : i32
      %select_n3A_395 = arith.select %and3A_393, %add3A_394, %rem3A_385 : i32
      %mul3A_396 = arith.constant 128 : i32
      %mul3A_397 = arith.muli %select_n3A_395, %mul3A_396 : i32
      %parallel_loop3A_398 = arith.constant 0 : i32
      %parallel_loop3A_399 = arith.constant 128 : i32
      %parallel_loop3A_400 = arith.constant 1 : i32
      scf.for %parallel_loop3A_509 = %parallel_loop3A_398 to %parallel_loop3A_399 step %parallel_loop3A_400  : i32 {
        %parallel_loop3A_510 = arith.addi %mul3A_397, %parallel_loop3A_509 : i32
        %parallel_loop3A_511 = arith.index_cast %parallel_loop3A_510 : i32 to index
        %parallel_loop3A_512 = arith.constant 0 : index
        %parallel_loop3A_513 = tpu.vector_load %arg6[%parallel_loop3A_511, %parallel_loop3A_512] {strides = array<i32>} : memref<1024x64xf32, #tpu.memory_space<vmem>>, vector<1x16xf32>,
        %parallel_loop3A_514 = vector.shape_cast %parallel_loop3A_513 : vector<1x16xf32> to vector<16xf32>
        %parallel_loop3A_515 = arith.constant 2 : i32
        %parallel_loop3A_516 = arith.index_cast %parallel_loop3A_515 : i32 to index
        %parallel_loop3A_517 = arith.index_cast %parallel_loop3A_509 : i32 to index
        %parallel_loop3A_518 = arith.constant 0 : index
        %parallel_loop3A_519 = tpu.vector_load %arg8[%parallel_loop3A_516, %parallel_loop3A_517, %parallel_loop3A_518] {strides = array<i32>} : memref<4x128x64xf32, #tpu.memory_space<vmem>>, vector<1x1x16xf32>,
        %parallel_loop3A_520 = vector.shape_cast %parallel_loop3A_519 : vector<1x1x16xf32> to vector<16xf32>
        %parallel_loop3A_521 = vector.shape_cast %parallel_loop3A_514 : vector<16xf32> to vector<1x1x16xf32>
        tpu.vector_store %arg8[%parallel_loop3A_516, %parallel_loop3A_517, %parallel_loop3A_518], %parallel_loop3A_521 {strides = array<i32>} : memref<4x128x64xf32, #tpu.memory_space<vmem>>, vector<1x1x16xf32>,
        %parallel_loop3A_522 = arith.addi %mul3A_397, %parallel_loop3A_509 : i32
        %parallel_loop3A_523 = arith.index_cast %parallel_loop3A_522 : i32 to index
        %parallel_loop3A_524 = arith.constant 16 : index
        %parallel_loop3A_525 = tpu.vector_load %arg6[%parallel_loop3A_523, %parallel_loop3A_524] {strides = array<i32>} : memref<1024x64xf32, #tpu.memory_space<vmem>>, vector<1x16xf32>,
        %parallel_loop3A_526 = vector.shape_cast %parallel_loop3A_525 : vector<1x16xf32> to vector<16xf32>
        %parallel_loop3A_527 = arith.constant 2 : i32
        %parallel_loop3A_528 = arith.index_cast %parallel_loop3A_527 : i32 to index
        %parallel_loop3A_529 = arith.index_cast %parallel_loop3A_509 : i32 to index
        %parallel_loop3A_530 = arith.constant 16 : index
        %parallel_loop3A_531 = tpu.vector_load %arg8[%parallel_loop3A_528, %parallel_loop3A_529, %parallel_loop3A_530] {strides = array<i32>} : memref<4x128x64xf32, #tpu.memory_space<vmem>>, vector<1x1x16xf32>,
        %parallel_loop3A_532 = vector.shape_cast %parallel_loop3A_531 : vector<1x1x16xf32> to vector<16xf32>
        %parallel_loop3A_533 = vector.shape_cast %parallel_loop3A_526 : vector<16xf32> to vector<1x1x16xf32>
        tpu.vector_store %arg8[%parallel_loop3A_528, %parallel_loop3A_529, %parallel_loop3A_530], %parallel_loop3A_533 {strides = array<i32>} : memref<4x128x64xf32, #tpu.memory_space<vmem>>, vector<1x1x16xf32>,
        %parallel_loop3A_534 = arith.addi %mul3A_397, %parallel_loop3A_509 : i32
        %parallel_loop3A_535 = arith.index_cast %parallel_loop3A_534 : i32 to index
        %parallel_loop3A_536 = arith.constant 32 : index
        %parallel_loop3A_537 = tpu.vector_load %arg6[%parallel_loop3A_535, %parallel_loop3A_536] {strides = array<i32>} : memref<1024x64xf32, #tpu.memory_space<vmem>>, vector<1x16xf32>,
        %parallel_loop3A_538 = vector.shape_cast %parallel_loop3A_537 : vector<1x16xf32> to vector<16xf32>
        %parallel_loop3A_539 = arith.constant 2 : i32
        %parallel_loop3A_540 = arith.index_cast %parallel_loop3A_539 : i32 to index
        %parallel_loop3A_541 = arith.index_cast %parallel_loop3A_509 : i32 to index
        %parallel_loop3A_542 = arith.constant 32 : index
        %parallel_loop3A_543 = tpu.vector_load %arg8[%parallel_loop3A_540, %parallel_loop3A_541, %parallel_loop3A_542] {strides = array<i32>} : memref<4x128x64xf32, #tpu.memory_space<vmem>>, vector<1x1x16xf32>,
        %parallel_loop3A_544 = vector.shape_cast %parallel_loop3A_543 : vector<1x1x16xf32> to vector<16xf32>
        %parallel_loop3A_545 = vector.shape_cast %parallel_loop3A_538 : vector<16xf32> to vector<1x1x16xf32>
        tpu.vector_store %arg8[%parallel_loop3A_540, %parallel_loop3A_541, %parallel_loop3A_542], %parallel_loop3A_545 {strides = array<i32>} : memref<4x128x64xf32, #tpu.memory_space<vmem>>, vector<1x1x16xf32>,
        %parallel_loop3A_546 = arith.addi %mul3A_397, %parallel_loop3A_509 : i32
        %parallel_loop3A_547 = arith.index_cast %parallel_loop3A_546 : i32 to index
        %parallel_loop3A_548 = arith.constant 48 : index
        %parallel_loop3A_549 = tpu.vector_load %arg6[%parallel_loop3A_547, %parallel_loop3A_548] {strides = array<i32>} : memref<1024x64xf32, #tpu.memory_space<vmem>>, vector<1x16xf32>,
        %parallel_loop3A_550 = vector.shape_cast %parallel_loop3A_549 : vector<1x16xf32> to vector<16xf32>
        %parallel_loop3A_551 = arith.constant 2 : i32
        %parallel_loop3A_552 = arith.index_cast %parallel_loop3A_551 : i32 to index
        %parallel_loop3A_553 = arith.index_cast %parallel_loop3A_509 : i32 to index
        %parallel_loop3A_554 = arith.constant 48 : index
        %parallel_loop3A_555 = tpu.vector_load %arg8[%parallel_loop3A_552, %parallel_loop3A_553, %parallel_loop3A_554] {strides = array<i32>} : memref<4x128x64xf32, #tpu.memory_space<vmem>>, vector<1x1x16xf32>,
        %parallel_loop3A_556 = vector.shape_cast %parallel_loop3A_555 : vector<1x1x16xf32> to vector<16xf32>
        %parallel_loop3A_557 = vector.shape_cast %parallel_loop3A_550 : vector<16xf32> to vector<1x1x16xf32>
        tpu.vector_store %arg8[%parallel_loop3A_552, %parallel_loop3A_553, %parallel_loop3A_554], %parallel_loop3A_557 {strides = array<i32>} : memref<4x128x64xf32, #tpu.memory_space<vmem>>, vector<1x1x16xf32>,
      } {sc.loop_unroll_factor = 4 : i64, sc.parallel_access}
      %dma_wait3A_401 = arith.constant 0 : i32
      %dma_wait3A_402 = arith.constant 2 : i32
      %dma_wait3A_403 = arith.constant 2 : i32
      %dma_wait3A_404 = arith.constant 0 : i32
      %dma_wait3A_405 = tpu.memref_slice %arg7[%dma_wait3A_402, %dma_wait3A_404] : memref<4x128xi32, #tpu.memory_space<vmem>> -> memref<1x128xi32, #tpu.memory_space<vmem>>
      %dma_wait3A_406 = tpu.memref_squeeze %dma_wait3A_405 : memref<1x128xi32, #tpu.memory_space<vmem>> -> memref<128xi32, #tpu.memory_space<vmem>>
      %dma_wait3A_407 = arith.constant 0 : i32
      %dma_wait3A_408 = tpu.memref_slice %arg2[%dma_wait3A_401, %dma_wait3A_407] : memref<8192x128xi32, #tpu.memory_space<hbm>> -> memref<1x128xi32, #tpu.memory_space<hbm>>
      %dma_wait3A_409 = tpu.memref_squeeze %dma_wait3A_408 : memref<1x128xi32, #tpu.memory_space<hbm>> -> memref<128xi32, #tpu.memory_space<hbm>>
      %dma_wait3A_410 = tpu.memref_slice %arg11[%dma_wait3A_403] : memref<4x!tpu.dma_semaphore, #tpu.memory_space<semaphore_mem>> -> memref<1x!tpu.dma_semaphore, #tpu.memory_space<semaphore_mem>>
      %dma_wait3A_411 = tpu.memref_squeeze %dma_wait3A_410 : memref<1x!tpu.dma_semaphore, #tpu.memory_space<semaphore_mem>> -> memref<!tpu.dma_semaphore, #tpu.memory_space<semaphore_mem>>
      %dma_wait3A_412 = arith.constant 0 : i32
      %dma_wait3A_413 = tpu.memref_slice %arg7[%dma_wait3A_402, %dma_wait3A_412] : memref<4x128xi32, #tpu.memory_space<vmem>> -> memref<1x128xi32, #tpu.memory_space<vmem>>
      %dma_wait3A_414 = tpu.memref_squeeze %dma_wait3A_413 : memref<1x128xi32, #tpu.memory_space<vmem>> -> memref<128xi32, #tpu.memory_space<vmem>>
      %dma_wait3A_415 = arith.constant 0 : i32
      %dma_wait3A_416 = tpu.memref_slice %arg2[%dma_wait3A_401, %dma_wait3A_415] : memref<8192x128xi32, #tpu.memory_space<hbm>> -> memref<1x128xi32, #tpu.memory_space<hbm>>
      %dma_wait3A_417 = tpu.memref_squeeze %dma_wait3A_416 : memref<1x128xi32, #tpu.memory_space<hbm>> -> memref<128xi32, #tpu.memory_space<hbm>>
      tpu.wait_dma2 semaphore(%dma_wait3A_411 : memref<!tpu.dma_semaphore, #tpu.memory_space<semaphore_mem>>) src(%dma_wait3A_417 : memref<128xi32, #tpu.memory_space<hbm>>) dst(%dma_wait3A_414 : memref<128xi32, #tpu.memory_space<vmem>>)
      %dma_start3A_418 = arith.constant 2 : i32
      %dma_start3A_419 = arith.constant 2 : i32
      %dma_start3A_420 = arith.constant 2 : i32
      %dma_start3A_421 = arith.constant 0 : i32
      %dma_start3A_422 = arith.constant 0 : i32
      %dma_start3A_423 = tpu.memref_slice %arg8[%dma_start3A_419, %dma_start3A_421, %dma_start3A_422] : memref<4x128x64xf32, #tpu.memory_space<vmem>> -> memref<1x128x64xf32, #tpu.memory_space<vmem>>
      %dma_start3A_424 = tpu.memref_squeeze %dma_start3A_423 : memref<1x128x64xf32, #tpu.memory_space<vmem>> -> memref<128x64xf32, #tpu.memory_space<vmem>>
      %dma_start3A_425 = arith.constant 0 : i32
      %dma_start3A_426 = tpu.memref_slice %arg7[%dma_start3A_418, %dma_start3A_425] : memref<4x128xi32, #tpu.memory_space<vmem>> -> memref<1x128xi32, #tpu.memory_space<vmem>>
      %dma_start3A_427 = tpu.memref_squeeze %dma_start3A_426 : memref<1x128xi32, #tpu.memory_space<vmem>> -> memref<128xi32, #tpu.memory_space<vmem>>
      %dma_start3A_428 = arith.constant 0 : i32
      %dma_start3A_429 = arith.constant 0 : i32
      %dma_start3A_430 = tpu.memref_slice %arg3[%dma_start3A_428, %dma_start3A_429] : memref<1000000x64xf32, #tpu.memory_space<hbm>> -> memref<1000000x64xf32, #tpu.memory_space<hbm>>
      %dma_start3A_431 = tpu.memref_slice %arg9[%dma_start3A_420] : memref<4x!tpu.dma_semaphore, #tpu.memory_space<semaphore_mem>> -> memref<1x!tpu.dma_semaphore, #tpu.memory_space<semaphore_mem>>
      %dma_start3A_432 = tpu.memref_squeeze %dma_start3A_431 : memref<1x!tpu.dma_semaphore, #tpu.memory_space<semaphore_mem>> -> memref<!tpu.dma_semaphore, #tpu.memory_space<semaphore_mem>>
      tpu.enqueue_indirect_dma source(%dma_start3A_430 : memref<1000000x64xf32, #tpu.memory_space<hbm>>) target(%dma_start3A_424 : memref<128x64xf32, #tpu.memory_space<vmem>>) offsets(%dma_start3A_427 : memref<128xi32, #tpu.memory_space<vmem>>) semaphore(%dma_start3A_432 : memref<!tpu.dma_semaphore, #tpu.memory_space<semaphore_mem>>) {add = true}
      %gt3A_433 = arith.constant 0 : i32
      %gt3A_434 = arith.cmpi sgt, %scan3A_244, %gt3A_433 : i32
      %or3A_435 = arith.constant true
      %or3A_436 = arith.ori %gt3A_434, %or3A_435 : i1
      %convert_element_type3A_437 = arith.extui %or3A_436 : i1 to i32
      %cond3A_438 = arith.constant 0 : i32
      %cond3A_439 = arith.cmpi ne, %convert_element_type3A_437, %cond3A_438 : i32
      scf.if %cond3A_439 {
        %dma_wait3A_509 = arith.constant 0 : i32
        %dma_wait3A_510 = arith.constant 0 : i32
        %dma_wait3A_511 = arith.constant 0 : i32
        %dma_wait3A_512 = arith.constant 0 : i32
        %dma_wait3A_513 = arith.constant 0 : i32
        %dma_wait3A_514 = tpu.memref_slice %arg8[%dma_wait3A_510, %dma_wait3A_512, %dma_wait3A_513] : memref<4x128x64xf32, #tpu.memory_space<vmem>> -> memref<1x128x64xf32, #tpu.memory_space<vmem>>
        %dma_wait3A_515 = tpu.memref_squeeze %dma_wait3A_514 : memref<1x128x64xf32, #tpu.memory_space<vmem>> -> memref<128x64xf32, #tpu.memory_space<vmem>>
        %dma_wait3A_516 = arith.constant 0 : i32
        %dma_wait3A_517 = tpu.memref_slice %arg7[%dma_wait3A_509, %dma_wait3A_516] : memref<4x128xi32, #tpu.memory_space<vmem>> -> memref<1x128xi32, #tpu.memory_space<vmem>>
        %dma_wait3A_518 = tpu.memref_squeeze %dma_wait3A_517 : memref<1x128xi32, #tpu.memory_space<vmem>> -> memref<128xi32, #tpu.memory_space<vmem>>
        %dma_wait3A_519 = arith.constant 0 : i32
        %dma_wait3A_520 = arith.constant 0 : i32
        %dma_wait3A_521 = tpu.memref_slice %arg3[%dma_wait3A_519, %dma_wait3A_520] : memref<1000000x64xf32, #tpu.memory_space<hbm>> -> memref<1000000x64xf32, #tpu.memory_space<hbm>>
        %dma_wait3A_522 = tpu.memref_slice %arg9[%dma_wait3A_511] : memref<4x!tpu.dma_semaphore, #tpu.memory_space<semaphore_mem>> -> memref<1x!tpu.dma_semaphore, #tpu.memory_space<semaphore_mem>>
        %dma_wait3A_523 = tpu.memref_squeeze %dma_wait3A_522 : memref<1x!tpu.dma_semaphore, #tpu.memory_space<semaphore_mem>> -> memref<!tpu.dma_semaphore, #tpu.memory_space<semaphore_mem>>
        tpu.wait_indirect_dma semaphore(%dma_wait3A_523 : memref<!tpu.dma_semaphore, #tpu.memory_space<semaphore_mem>>) src(%dma_wait3A_521 : memref<1000000x64xf32, #tpu.memory_space<hbm>>) dst(%dma_wait3A_515 : memref<128x64xf32, #tpu.memory_space<vmem>>)
        %sub3A = arith.constant 2 : i32
        %sub3A_524 = arith.subi %add3A_374, %sub3A : i32
        %jit3A_525 = arith.constant 8 : i32
        %div3A = arith.divsi %sub3A_524, %jit3A_525 : i32
        %sign3A = arith.constant 0 : i32
        %sign3A_526 = arith.cmpi sgt, %sub3A_524, %sign3A : i32
        %sign3A_527 = arith.extui %sign3A_526 : i1 to i32
        %sign3A_528 = arith.constant 0 : i32
        %sign3A_529 = arith.cmpi slt, %sub3A_524, %sign3A_528 : i32
        %sign3A_530 = arith.extui %sign3A_529 : i1 to i32
        %sign3A_531 = arith.subi %sign3A_527, %sign3A_530 : i32
        %sign3A_532 = arith.constant 0 : i32
        %sign3A_533 = arith.cmpi sgt, %jit3A_525, %sign3A_532 : i32
        %sign3A_534 = arith.extui %sign3A_533 : i1 to i32
        %sign3A_535 = arith.constant 0 : i32
        %sign3A_536 = arith.cmpi slt, %jit3A_525, %sign3A_535 : i32
        %sign3A_537 = arith.extui %sign3A_536 : i1 to i32
        %sign3A_538 = arith.subi %sign3A_534, %sign3A_537 : i32
        %ne3A_539 = arith.cmpi ne, %sign3A_531, %sign3A_538 : i32
        %rem3A_540 = arith.remsi %sub3A_524, %jit3A_525 : i32
        %ne3A_541 = arith.constant 0 : i32
        %ne3A_542 = arith.cmpi ne, %rem3A_540, %ne3A_541 : i32
        %and3A_543 = arith.andi %ne3A_539, %ne3A_542 : i1
        %sub3A_544 = arith.constant 1 : i32
        %sub3A_545 = arith.subi %div3A, %sub3A_544 : i32
        %select_n3A_546 = arith.select %and3A_543, %sub3A_545, %div3A : i32
        %add3A_547 = arith.addi %mul3A_2, %select_n3A_546 : i32
        %jit3A_548 = arith.constant 8 : i32
        %eq3A_549 = arith.constant 0 : i32
        %eq3A_550 = arith.cmpi eq, %jit3A_548, %eq3A_549 : i32
        %jit3A_551 = arith.constant 1 : i32
        %select_n3A_552 = arith.select %eq3A_550, %jit3A_551, %jit3A_548 : i32
        %rem3A_553 = arith.remsi %sub3A_524, %select_n3A_552 : i32
        %ne3A_554 = arith.constant 0 : i32
        %ne3A_555 = arith.cmpi ne, %rem3A_553, %ne3A_554 : i32
        %lt3A_556 = arith.constant 0 : i32
        %lt3A_557 = arith.cmpi slt, %rem3A_553, %lt3A_556 : i32
        %lt3A_558 = arith.constant 0 : i32
        %lt3A_559 = arith.cmpi slt, %select_n3A_552, %lt3A_558 : i32
        %ne3A_560 = arith.xori %lt3A_557, %lt3A_559 : i1
        %and3A_561 = arith.andi %ne3A_560, %ne3A_555 : i1
        %add3A_562 = arith.addi %rem3A_553, %select_n3A_552 : i32
        %select_n3A_563 = arith.select %and3A_561, %add3A_562, %rem3A_553 : i32
        %mul3A_564 = arith.constant 128 : i32
        %mul3A_565 = arith.muli %select_n3A_563, %mul3A_564 : i32
        %dma_start3A_566 = arith.constant 0 : i32
        %dma_start3A_567 = arith.constant 0 : i32
        %dma_start3A_568 = arith.constant 0 : i32
        %dma_start3A_569 = arith.constant 0 : i32
        %dma_start3A_570 = tpu.memref_slice %arg8[%dma_start3A_566, %dma_start3A_568, %dma_start3A_569] : memref<4x128x64xf32, #tpu.memory_space<vmem>> -> memref<1x128x64xf32, #tpu.memory_space<vmem>>
        %dma_start3A_571 = tpu.memref_squeeze %dma_start3A_570 : memref<1x128x64xf32, #tpu.memory_space<vmem>> -> memref<128x64xf32, #tpu.memory_space<vmem>>
        %dma_start3A_572 = arith.constant 0 : i32
        %dma_start3A_573 = tpu.memref_slice %arg5[%add3A_547, %mul3A_565, %dma_start3A_572] : memref<1024x1024x64xf32, #tpu.memory_space<hbm>> -> memref<1x128x64xf32, #tpu.memory_space<hbm>>
        %dma_start3A_574 = tpu.memref_squeeze %dma_start3A_573 : memref<1x128x64xf32, #tpu.memory_space<hbm>> -> memref<128x64xf32, #tpu.memory_space<hbm>>
        %dma_start3A_575 = tpu.memref_slice %arg10[%dma_start3A_567] : memref<4x!tpu.dma_semaphore, #tpu.memory_space<semaphore_mem>> -> memref<1x!tpu.dma_semaphore, #tpu.memory_space<semaphore_mem>>
        %dma_start3A_576 = tpu.memref_squeeze %dma_start3A_575 : memref<1x!tpu.dma_semaphore, #tpu.memory_space<semaphore_mem>> -> memref<!tpu.dma_semaphore, #tpu.memory_space<semaphore_mem>>
        %dma_start3A_577 = arith.constant 0 : i32
        %dma_start3A_578 = tpu.memref_slice %arg5[%add3A_547, %mul3A_565, %dma_start3A_577] : memref<1024x1024x64xf32, #tpu.memory_space<hbm>> -> memref<1x128x64xf32, #tpu.memory_space<hbm>>
        %dma_start3A_579 = tpu.memref_squeeze %dma_start3A_578 : memref<1x128x64xf32, #tpu.memory_space<hbm>> -> memref<128x64xf32, #tpu.memory_space<hbm>>
        %dma_start3A_580 = arith.constant 0 : i32
        %dma_start3A_581 = arith.constant 0 : i32
        %dma_start3A_582 = tpu.memref_slice %arg8[%dma_start3A_566, %dma_start3A_580, %dma_start3A_581] : memref<4x128x64xf32, #tpu.memory_space<vmem>> -> memref<1x128x64xf32, #tpu.memory_space<vmem>>
        %dma_start3A_583 = tpu.memref_squeeze %dma_start3A_582 : memref<1x128x64xf32, #tpu.memory_space<vmem>> -> memref<128x64xf32, #tpu.memory_space<vmem>>
        tpu.enqueue_dma source(%dma_start3A_583 : memref<128x64xf32, #tpu.memory_space<vmem>>) target(%dma_start3A_579 : memref<128x64xf32, #tpu.memory_space<hbm>>) target_semaphore(%dma_start3A_576 : memref<!tpu.dma_semaphore, #tpu.memory_space<semaphore_mem>>)
        %add3A_584 = arith.constant 2 : i32
        %add3A_585 = arith.addi %add3A_374, %add3A_584 : i32
        %lt3A_586 = arith.constant 256 : i32
        %lt3A_587 = arith.cmpi slt, %add3A_585, %lt3A_586 : i32
        %convert_element_type3A_588 = arith.extui %lt3A_587 : i1 to i32
        %cond3A_589 = arith.constant 0 : i32
        %cond3A_590 = arith.cmpi ne, %convert_element_type3A_588, %cond3A_589 : i32
        scf.if %cond3A_590 {
          %add3A_591 = arith.constant 2 : i32
          %add3A_592 = arith.addi %add3A_374, %add3A_591 : i32
          %mul3A_593 = arith.constant 256 : i32
          %mul3A_594 = arith.muli %add3A, %mul3A_593 : i32
          %add3A_595 = arith.addi %mul3A_594, %add3A_592 : i32
          %dma_start3A_596 = arith.constant 0 : i32
          %dma_start3A_597 = arith.constant 0 : i32
          %dma_start3A_598 = arith.constant 0 : i32
          %dma_start3A_599 = tpu.memref_slice %arg7[%dma_start3A_596, %dma_start3A_598] : memref<4x128xi32, #tpu.memory_space<vmem>> -> memref<1x128xi32, #tpu.memory_space<vmem>>
          %dma_start3A_600 = tpu.memref_squeeze %dma_start3A_599 : memref<1x128xi32, #tpu.memory_space<vmem>> -> memref<128xi32, #tpu.memory_space<vmem>>
          %dma_start3A_601 = arith.constant 0 : i32
          %dma_start3A_602 = tpu.memref_slice %arg2[%add3A_595, %dma_start3A_601] : memref<8192x128xi32, #tpu.memory_space<hbm>> -> memref<1x128xi32, #tpu.memory_space<hbm>>
          %dma_start3A_603 = tpu.memref_squeeze %dma_start3A_602 : memref<1x128xi32, #tpu.memory_space<hbm>> -> memref<128xi32, #tpu.memory_space<hbm>>
          %dma_start3A_604 = tpu.memref_slice %arg11[%dma_start3A_597] : memref<4x!tpu.dma_semaphore, #tpu.memory_space<semaphore_mem>> -> memref<1x!tpu.dma_semaphore, #tpu.memory_space<semaphore_mem>>
          %dma_start3A_605 = tpu.memref_squeeze %dma_start3A_604 : memref<1x!tpu.dma_semaphore, #tpu.memory_space<semaphore_mem>> -> memref<!tpu.dma_semaphore, #tpu.memory_space<semaphore_mem>>
          %dma_start3A_606 = arith.constant 0 : i32
          %dma_start3A_607 = tpu.memref_slice %arg7[%dma_start3A_596, %dma_start3A_606] : memref<4x128xi32, #tpu.memory_space<vmem>> -> memref<1x128xi32, #tpu.memory_space<vmem>>
          %dma_start3A_608 = tpu.memref_squeeze %dma_start3A_607 : memref<1x128xi32, #tpu.memory_space<vmem>> -> memref<128xi32, #tpu.memory_space<vmem>>
          %dma_start3A_609 = arith.constant 0 : i32
          %dma_start3A_610 = tpu.memref_slice %arg2[%add3A_595, %dma_start3A_609] : memref<8192x128xi32, #tpu.memory_space<hbm>> -> memref<1x128xi32, #tpu.memory_space<hbm>>
          %dma_start3A_611 = tpu.memref_squeeze %dma_start3A_610 : memref<1x128xi32, #tpu.memory_space<hbm>> -> memref<128xi32, #tpu.memory_space<hbm>>
          tpu.enqueue_dma source(%dma_start3A_611 : memref<128xi32, #tpu.memory_space<hbm>>) target(%dma_start3A_608 : memref<128xi32, #tpu.memory_space<vmem>>) target_semaphore(%dma_start3A_605 : memref<!tpu.dma_semaphore, #tpu.memory_space<semaphore_mem>>)
        } else {
        }
      } else {
      }
      %mul3A_440 = arith.constant 4 : i32
      %mul3A_441 = arith.muli %scan3A_244, %mul3A_440 : i32
      %add3A_442 = arith.constant 3 : i32
      %add3A_443 = arith.addi %mul3A_441, %add3A_442 : i32
      %gt3A_444 = arith.constant 0 : i32
      %gt3A_445 = arith.cmpi sgt, %scan3A_244, %gt3A_444 : i32
      %convert_element_type3A_446 = arith.extui %gt3A_445 : i1 to i32
      %cond3A_447 = arith.constant 0 : i32
      %cond3A_448 = arith.cmpi ne, %convert_element_type3A_446, %cond3A_447 : i32
      scf.if %cond3A_448 {
        %dma_wait3A_509 = arith.constant 3 : i32
        %dma_wait3A_510 = arith.constant 0 : i32
        %dma_wait3A_511 = arith.constant 3 : i32
        %dma_wait3A_512 = arith.constant 0 : i32
        %dma_wait3A_513 = arith.constant 0 : i32
        %dma_wait3A_514 = tpu.memref_slice %arg8[%dma_wait3A_509, %dma_wait3A_512, %dma_wait3A_513] : memref<4x128x64xf32, #tpu.memory_space<vmem>> -> memref<1x128x64xf32, #tpu.memory_space<vmem>>
        %dma_wait3A_515 = tpu.memref_squeeze %dma_wait3A_514 : memref<1x128x64xf32, #tpu.memory_space<vmem>> -> memref<128x64xf32, #tpu.memory_space<vmem>>
        %dma_wait3A_516 = arith.constant 0 : i32
        %dma_wait3A_517 = arith.constant 0 : i32
        %dma_wait3A_518 = tpu.memref_slice %arg5[%dma_wait3A_510, %dma_wait3A_516, %dma_wait3A_517] : memref<1024x1024x64xf32, #tpu.memory_space<hbm>> -> memref<1x128x64xf32, #tpu.memory_space<hbm>>
        %dma_wait3A_519 = tpu.memref_squeeze %dma_wait3A_518 : memref<1x128x64xf32, #tpu.memory_space<hbm>> -> memref<128x64xf32, #tpu.memory_space<hbm>>
        %dma_wait3A_520 = tpu.memref_slice %arg10[%dma_wait3A_511] : memref<4x!tpu.dma_semaphore, #tpu.memory_space<semaphore_mem>> -> memref<1x!tpu.dma_semaphore, #tpu.memory_space<semaphore_mem>>
        %dma_wait3A_521 = tpu.memref_squeeze %dma_wait3A_520 : memref<1x!tpu.dma_semaphore, #tpu.memory_space<semaphore_mem>> -> memref<!tpu.dma_semaphore, #tpu.memory_space<semaphore_mem>>
        %dma_wait3A_522 = arith.constant 0 : i32
        %dma_wait3A_523 = arith.constant 0 : i32
        %dma_wait3A_524 = tpu.memref_slice %arg5[%dma_wait3A_510, %dma_wait3A_522, %dma_wait3A_523] : memref<1024x1024x64xf32, #tpu.memory_space<hbm>> -> memref<1x128x64xf32, #tpu.memory_space<hbm>>
        %dma_wait3A_525 = tpu.memref_squeeze %dma_wait3A_524 : memref<1x128x64xf32, #tpu.memory_space<hbm>> -> memref<128x64xf32, #tpu.memory_space<hbm>>
        %dma_wait3A_526 = arith.constant 0 : i32
        %dma_wait3A_527 = arith.constant 0 : i32
        %dma_wait3A_528 = tpu.memref_slice %arg8[%dma_wait3A_509, %dma_wait3A_526, %dma_wait3A_527] : memref<4x128x64xf32, #tpu.memory_space<vmem>> -> memref<1x128x64xf32, #tpu.memory_space<vmem>>
        %dma_wait3A_529 = tpu.memref_squeeze %dma_wait3A_528 : memref<1x128x64xf32, #tpu.memory_space<vmem>> -> memref<128x64xf32, #tpu.memory_space<vmem>>
        tpu.wait_dma2 semaphore(%dma_wait3A_521 : memref<!tpu.dma_semaphore, #tpu.memory_space<semaphore_mem>>) src(%dma_wait3A_529 : memref<128x64xf32, #tpu.memory_space<vmem>>) dst(%dma_wait3A_525 : memref<128x64xf32, #tpu.memory_space<hbm>>)
      } else {
      }
      %jit3A_449 = arith.constant 8 : i32
      %eq3A_450 = arith.constant 0 : i32
      %eq3A_451 = arith.cmpi eq, %jit3A_449, %eq3A_450 : i32
      %jit3A_452 = arith.constant 1 : i32
      %select_n3A_453 = arith.select %eq3A_451, %jit3A_452, %jit3A_449 : i32
      %rem3A_454 = arith.remsi %add3A_443, %select_n3A_453 : i32
      %ne3A_455 = arith.constant 0 : i32
      %ne3A_456 = arith.cmpi ne, %rem3A_454, %ne3A_455 : i32
      %lt3A_457 = arith.constant 0 : i32
      %lt3A_458 = arith.cmpi slt, %rem3A_454, %lt3A_457 : i32
      %lt3A_459 = arith.constant 0 : i32
      %lt3A_460 = arith.cmpi slt, %select_n3A_453, %lt3A_459 : i32
      %ne3A_461 = arith.xori %lt3A_458, %lt3A_460 : i1
      %and3A_462 = arith.andi %ne3A_461, %ne3A_456 : i1
      %add3A_463 = arith.addi %rem3A_454, %select_n3A_453 : i32
      %select_n3A_464 = arith.select %and3A_462, %add3A_463, %rem3A_454 : i32
      %mul3A_465 = arith.constant 128 : i32
      %mul3A_466 = arith.muli %select_n3A_464, %mul3A_465 : i32
      %parallel_loop3A_467 = arith.constant 0 : i32
      %parallel_loop3A_468 = arith.constant 128 : i32
      %parallel_loop3A_469 = arith.constant 1 : i32
      scf.for %parallel_loop3A_509 = %parallel_loop3A_467 to %parallel_loop3A_468 step %parallel_loop3A_469  : i32 {
        %parallel_loop3A_510 = arith.addi %mul3A_466, %parallel_loop3A_509 : i32
        %parallel_loop3A_511 = arith.index_cast %parallel_loop3A_510 : i32 to index
        %parallel_loop3A_512 = arith.constant 0 : index
        %parallel_loop3A_513 = tpu.vector_load %arg6[%parallel_loop3A_511, %parallel_loop3A_512] {strides = array<i32>} : memref<1024x64xf32, #tpu.memory_space<vmem>>, vector<1x16xf32>,
        %parallel_loop3A_514 = vector.shape_cast %parallel_loop3A_513 : vector<1x16xf32> to vector<16xf32>
        %parallel_loop3A_515 = arith.constant 3 : i32
        %parallel_loop3A_516 = arith.index_cast %parallel_loop3A_515 : i32 to index
        %parallel_loop3A_517 = arith.index_cast %parallel_loop3A_509 : i32 to index
        %parallel_loop3A_518 = arith.constant 0 : index
        %parallel_loop3A_519 = tpu.vector_load %arg8[%parallel_loop3A_516, %parallel_loop3A_517, %parallel_loop3A_518] {strides = array<i32>} : memref<4x128x64xf32, #tpu.memory_space<vmem>>, vector<1x1x16xf32>,
        %parallel_loop3A_520 = vector.shape_cast %parallel_loop3A_519 : vector<1x1x16xf32> to vector<16xf32>
        %parallel_loop3A_521 = vector.shape_cast %parallel_loop3A_514 : vector<16xf32> to vector<1x1x16xf32>
        tpu.vector_store %arg8[%parallel_loop3A_516, %parallel_loop3A_517, %parallel_loop3A_518], %parallel_loop3A_521 {strides = array<i32>} : memref<4x128x64xf32, #tpu.memory_space<vmem>>, vector<1x1x16xf32>,
        %parallel_loop3A_522 = arith.addi %mul3A_466, %parallel_loop3A_509 : i32
        %parallel_loop3A_523 = arith.index_cast %parallel_loop3A_522 : i32 to index
        %parallel_loop3A_524 = arith.constant 16 : index
        %parallel_loop3A_525 = tpu.vector_load %arg6[%parallel_loop3A_523, %parallel_loop3A_524] {strides = array<i32>} : memref<1024x64xf32, #tpu.memory_space<vmem>>, vector<1x16xf32>,
        %parallel_loop3A_526 = vector.shape_cast %parallel_loop3A_525 : vector<1x16xf32> to vector<16xf32>
        %parallel_loop3A_527 = arith.constant 3 : i32
        %parallel_loop3A_528 = arith.index_cast %parallel_loop3A_527 : i32 to index
        %parallel_loop3A_529 = arith.index_cast %parallel_loop3A_509 : i32 to index
        %parallel_loop3A_530 = arith.constant 16 : index
        %parallel_loop3A_531 = tpu.vector_load %arg8[%parallel_loop3A_528, %parallel_loop3A_529, %parallel_loop3A_530] {strides = array<i32>} : memref<4x128x64xf32, #tpu.memory_space<vmem>>, vector<1x1x16xf32>,
        %parallel_loop3A_532 = vector.shape_cast %parallel_loop3A_531 : vector<1x1x16xf32> to vector<16xf32>
        %parallel_loop3A_533 = vector.shape_cast %parallel_loop3A_526 : vector<16xf32> to vector<1x1x16xf32>
        tpu.vector_store %arg8[%parallel_loop3A_528, %parallel_loop3A_529, %parallel_loop3A_530], %parallel_loop3A_533 {strides = array<i32>} : memref<4x128x64xf32, #tpu.memory_space<vmem>>, vector<1x1x16xf32>,
        %parallel_loop3A_534 = arith.addi %mul3A_466, %parallel_loop3A_509 : i32
        %parallel_loop3A_535 = arith.index_cast %parallel_loop3A_534 : i32 to index
        %parallel_loop3A_536 = arith.constant 32 : index
        %parallel_loop3A_537 = tpu.vector_load %arg6[%parallel_loop3A_535, %parallel_loop3A_536] {strides = array<i32>} : memref<1024x64xf32, #tpu.memory_space<vmem>>, vector<1x16xf32>,
        %parallel_loop3A_538 = vector.shape_cast %parallel_loop3A_537 : vector<1x16xf32> to vector<16xf32>
        %parallel_loop3A_539 = arith.constant 3 : i32
        %parallel_loop3A_540 = arith.index_cast %parallel_loop3A_539 : i32 to index
        %parallel_loop3A_541 = arith.index_cast %parallel_loop3A_509 : i32 to index
        %parallel_loop3A_542 = arith.constant 32 : index
        %parallel_loop3A_543 = tpu.vector_load %arg8[%parallel_loop3A_540, %parallel_loop3A_541, %parallel_loop3A_542] {strides = array<i32>} : memref<4x128x64xf32, #tpu.memory_space<vmem>>, vector<1x1x16xf32>,
        %parallel_loop3A_544 = vector.shape_cast %parallel_loop3A_543 : vector<1x1x16xf32> to vector<16xf32>
        %parallel_loop3A_545 = vector.shape_cast %parallel_loop3A_538 : vector<16xf32> to vector<1x1x16xf32>
        tpu.vector_store %arg8[%parallel_loop3A_540, %parallel_loop3A_541, %parallel_loop3A_542], %parallel_loop3A_545 {strides = array<i32>} : memref<4x128x64xf32, #tpu.memory_space<vmem>>, vector<1x1x16xf32>,
        %parallel_loop3A_546 = arith.addi %mul3A_466, %parallel_loop3A_509 : i32
        %parallel_loop3A_547 = arith.index_cast %parallel_loop3A_546 : i32 to index
        %parallel_loop3A_548 = arith.constant 48 : index
        %parallel_loop3A_549 = tpu.vector_load %arg6[%parallel_loop3A_547, %parallel_loop3A_548] {strides = array<i32>} : memref<1024x64xf32, #tpu.memory_space<vmem>>, vector<1x16xf32>,
        %parallel_loop3A_550 = vector.shape_cast %parallel_loop3A_549 : vector<1x16xf32> to vector<16xf32>
        %parallel_loop3A_551 = arith.constant 3 : i32
        %parallel_loop3A_552 = arith.index_cast %parallel_loop3A_551 : i32 to index
        %parallel_loop3A_553 = arith.index_cast %parallel_loop3A_509 : i32 to index
        %parallel_loop3A_554 = arith.constant 48 : index
        %parallel_loop3A_555 = tpu.vector_load %arg8[%parallel_loop3A_552, %parallel_loop3A_553, %parallel_loop3A_554] {strides = array<i32>} : memref<4x128x64xf32, #tpu.memory_space<vmem>>, vector<1x1x16xf32>,
        %parallel_loop3A_556 = vector.shape_cast %parallel_loop3A_555 : vector<1x1x16xf32> to vector<16xf32>
        %parallel_loop3A_557 = vector.shape_cast %parallel_loop3A_550 : vector<16xf32> to vector<1x1x16xf32>
        tpu.vector_store %arg8[%parallel_loop3A_552, %parallel_loop3A_553, %parallel_loop3A_554], %parallel_loop3A_557 {strides = array<i32>} : memref<4x128x64xf32, #tpu.memory_space<vmem>>, vector<1x1x16xf32>,
      } {sc.loop_unroll_factor = 4 : i64, sc.parallel_access}
      %dma_wait3A_470 = arith.constant 0 : i32
      %dma_wait3A_471 = arith.constant 3 : i32
      %dma_wait3A_472 = arith.constant 3 : i32
      %dma_wait3A_473 = arith.constant 0 : i32
      %dma_wait3A_474 = tpu.memref_slice %arg7[%dma_wait3A_471, %dma_wait3A_473] : memref<4x128xi32, #tpu.memory_space<vmem>> -> memref<1x128xi32, #tpu.memory_space<vmem>>
      %dma_wait3A_475 = tpu.memref_squeeze %dma_wait3A_474 : memref<1x128xi32, #tpu.memory_space<vmem>> -> memref<128xi32, #tpu.memory_space<vmem>>
      %dma_wait3A_476 = arith.constant 0 : i32
      %dma_wait3A_477 = tpu.memref_slice %arg2[%dma_wait3A_470, %dma_wait3A_476] : memref<8192x128xi32, #tpu.memory_space<hbm>> -> memref<1x128xi32, #tpu.memory_space<hbm>>
      %dma_wait3A_478 = tpu.memref_squeeze %dma_wait3A_477 : memref<1x128xi32, #tpu.memory_space<hbm>> -> memref<128xi32, #tpu.memory_space<hbm>>
      %dma_wait3A_479 = tpu.memref_slice %arg11[%dma_wait3A_472] : memref<4x!tpu.dma_semaphore, #tpu.memory_space<semaphore_mem>> -> memref<1x!tpu.dma_semaphore, #tpu.memory_space<semaphore_mem>>
      %dma_wait3A_480 = tpu.memref_squeeze %dma_wait3A_479 : memref<1x!tpu.dma_semaphore, #tpu.memory_space<semaphore_mem>> -> memref<!tpu.dma_semaphore, #tpu.memory_space<semaphore_mem>>
      %dma_wait3A_481 = arith.constant 0 : i32
      %dma_wait3A_482 = tpu.memref_slice %arg7[%dma_wait3A_471, %dma_wait3A_481] : memref<4x128xi32, #tpu.memory_space<vmem>> -> memref<1x128xi32, #tpu.memory_space<vmem>>
      %dma_wait3A_483 = tpu.memref_squeeze %dma_wait3A_482 : memref<1x128xi32, #tpu.memory_space<vmem>> -> memref<128xi32, #tpu.memory_space<vmem>>
      %dma_wait3A_484 = arith.constant 0 : i32
      %dma_wait3A_485 = tpu.memref_slice %arg2[%dma_wait3A_470, %dma_wait3A_484] : memref<8192x128xi32, #tpu.memory_space<hbm>> -> memref<1x128xi32, #tpu.memory_space<hbm>>
      %dma_wait3A_486 = tpu.memref_squeeze %dma_wait3A_485 : memref<1x128xi32, #tpu.memory_space<hbm>> -> memref<128xi32, #tpu.memory_space<hbm>>
      tpu.wait_dma2 semaphore(%dma_wait3A_480 : memref<!tpu.dma_semaphore, #tpu.memory_space<semaphore_mem>>) src(%dma_wait3A_486 : memref<128xi32, #tpu.memory_space<hbm>>) dst(%dma_wait3A_483 : memref<128xi32, #tpu.memory_space<vmem>>)
      %dma_start3A_487 = arith.constant 3 : i32
      %dma_start3A_488 = arith.constant 3 : i32
      %dma_start3A_489 = arith.constant 3 : i32
      %dma_start3A_490 = arith.constant 0 : i32
      %dma_start3A_491 = arith.constant 0 : i32
      %dma_start3A_492 = tpu.memref_slice %arg8[%dma_start3A_488, %dma_start3A_490, %dma_start3A_491] : memref<4x128x64xf32, #tpu.memory_space<vmem>> -> memref<1x128x64xf32, #tpu.memory_space<vmem>>
      %dma_start3A_493 = tpu.memref_squeeze %dma_start3A_492 : memref<1x128x64xf32, #tpu.memory_space<vmem>> -> memref<128x64xf32, #tpu.memory_space<vmem>>
      %dma_start3A_494 = arith.constant 0 : i32
      %dma_start3A_495 = tpu.memref_slice %arg7[%dma_start3A_487, %dma_start3A_494] : memref<4x128xi32, #tpu.memory_space<vmem>> -> memref<1x128xi32, #tpu.memory_space<vmem>>
      %dma_start3A_496 = tpu.memref_squeeze %dma_start3A_495 : memref<1x128xi32, #tpu.memory_space<vmem>> -> memref<128xi32, #tpu.memory_space<vmem>>
      %dma_start3A_497 = arith.constant 0 : i32
      %dma_start3A_498 = arith.constant 0 : i32
      %dma_start3A_499 = tpu.memref_slice %arg3[%dma_start3A_497, %dma_start3A_498] : memref<1000000x64xf32, #tpu.memory_space<hbm>> -> memref<1000000x64xf32, #tpu.memory_space<hbm>>
      %dma_start3A_500 = tpu.memref_slice %arg9[%dma_start3A_489] : memref<4x!tpu.dma_semaphore, #tpu.memory_space<semaphore_mem>> -> memref<1x!tpu.dma_semaphore, #tpu.memory_space<semaphore_mem>>
      %dma_start3A_501 = tpu.memref_squeeze %dma_start3A_500 : memref<1x!tpu.dma_semaphore, #tpu.memory_space<semaphore_mem>> -> memref<!tpu.dma_semaphore, #tpu.memory_space<semaphore_mem>>
      tpu.enqueue_indirect_dma source(%dma_start3A_499 : memref<1000000x64xf32, #tpu.memory_space<hbm>>) target(%dma_start3A_493 : memref<128x64xf32, #tpu.memory_space<vmem>>) offsets(%dma_start3A_496 : memref<128xi32, #tpu.memory_space<vmem>>) semaphore(%dma_start3A_501 : memref<!tpu.dma_semaphore, #tpu.memory_space<semaphore_mem>>) {add = true}
      %gt3A_502 = arith.constant 0 : i32
      %gt3A_503 = arith.cmpi sgt, %scan3A_244, %gt3A_502 : i32
      %or3A_504 = arith.constant true
      %or3A_505 = arith.ori %gt3A_503, %or3A_504 : i1
      %convert_element_type3A_506 = arith.extui %or3A_505 : i1 to i32
      %cond3A_507 = arith.constant 0 : i32
      %cond3A_508 = arith.cmpi ne, %convert_element_type3A_506, %cond3A_507 : i32
      scf.if %cond3A_508 {
        %dma_wait3A_509 = arith.constant 1 : i32
        %dma_wait3A_510 = arith.constant 1 : i32
        %dma_wait3A_511 = arith.constant 1 : i32
        %dma_wait3A_512 = arith.constant 0 : i32
        %dma_wait3A_513 = arith.constant 0 : i32
        %dma_wait3A_514 = tpu.memref_slice %arg8[%dma_wait3A_510, %dma_wait3A_512, %dma_wait3A_513] : memref<4x128x64xf32, #tpu.memory_space<vmem>> -> memref<1x128x64xf32, #tpu.memory_space<vmem>>
        %dma_wait3A_515 = tpu.memref_squeeze %dma_wait3A_514 : memref<1x128x64xf32, #tpu.memory_space<vmem>> -> memref<128x64xf32, #tpu.memory_space<vmem>>
        %dma_wait3A_516 = arith.constant 0 : i32
        %dma_wait3A_517 = tpu.memref_slice %arg7[%dma_wait3A_509, %dma_wait3A_516] : memref<4x128xi32, #tpu.memory_space<vmem>> -> memref<1x128xi32, #tpu.memory_space<vmem>>
        %dma_wait3A_518 = tpu.memref_squeeze %dma_wait3A_517 : memref<1x128xi32, #tpu.memory_space<vmem>> -> memref<128xi32, #tpu.memory_space<vmem>>
        %dma_wait3A_519 = arith.constant 0 : i32
        %dma_wait3A_520 = arith.constant 0 : i32
        %dma_wait3A_521 = tpu.memref_slice %arg3[%dma_wait3A_519, %dma_wait3A_520] : memref<1000000x64xf32, #tpu.memory_space<hbm>> -> memref<1000000x64xf32, #tpu.memory_space<hbm>>
        %dma_wait3A_522 = tpu.memref_slice %arg9[%dma_wait3A_511] : memref<4x!tpu.dma_semaphore, #tpu.memory_space<semaphore_mem>> -> memref<1x!tpu.dma_semaphore, #tpu.memory_space<semaphore_mem>>
        %dma_wait3A_523 = tpu.memref_squeeze %dma_wait3A_522 : memref<1x!tpu.dma_semaphore, #tpu.memory_space<semaphore_mem>> -> memref<!tpu.dma_semaphore, #tpu.memory_space<semaphore_mem>>
        tpu.wait_indirect_dma semaphore(%dma_wait3A_523 : memref<!tpu.dma_semaphore, #tpu.memory_space<semaphore_mem>>) src(%dma_wait3A_521 : memref<1000000x64xf32, #tpu.memory_space<hbm>>) dst(%dma_wait3A_515 : memref<128x64xf32, #tpu.memory_space<vmem>>)
        %sub3A = arith.constant 2 : i32
        %sub3A_524 = arith.subi %add3A_443, %sub3A : i32
        %jit3A_525 = arith.constant 8 : i32
        %div3A = arith.divsi %sub3A_524, %jit3A_525 : i32
        %sign3A = arith.constant 0 : i32
        %sign3A_526 = arith.cmpi sgt, %sub3A_524, %sign3A : i32
        %sign3A_527 = arith.extui %sign3A_526 : i1 to i32
        %sign3A_528 = arith.constant 0 : i32
        %sign3A_529 = arith.cmpi slt, %sub3A_524, %sign3A_528 : i32
        %sign3A_530 = arith.extui %sign3A_529 : i1 to i32
        %sign3A_531 = arith.subi %sign3A_527, %sign3A_530 : i32
        %sign3A_532 = arith.constant 0 : i32
        %sign3A_533 = arith.cmpi sgt, %jit3A_525, %sign3A_532 : i32
        %sign3A_534 = arith.extui %sign3A_533 : i1 to i32
        %sign3A_535 = arith.constant 0 : i32
        %sign3A_536 = arith.cmpi slt, %jit3A_525, %sign3A_535 : i32
        %sign3A_537 = arith.extui %sign3A_536 : i1 to i32
        %sign3A_538 = arith.subi %sign3A_534, %sign3A_537 : i32
        %ne3A_539 = arith.cmpi ne, %sign3A_531, %sign3A_538 : i32
        %rem3A_540 = arith.remsi %sub3A_524, %jit3A_525 : i32
        %ne3A_541 = arith.constant 0 : i32
        %ne3A_542 = arith.cmpi ne, %rem3A_540, %ne3A_541 : i32
        %and3A_543 = arith.andi %ne3A_539, %ne3A_542 : i1
        %sub3A_544 = arith.constant 1 : i32
        %sub3A_545 = arith.subi %div3A, %sub3A_544 : i32
        %select_n3A_546 = arith.select %and3A_543, %sub3A_545, %div3A : i32
        %add3A_547 = arith.addi %mul3A_2, %select_n3A_546 : i32
        %jit3A_548 = arith.constant 8 : i32
        %eq3A_549 = arith.constant 0 : i32
        %eq3A_550 = arith.cmpi eq, %jit3A_548, %eq3A_549 : i32
        %jit3A_551 = arith.constant 1 : i32
        %select_n3A_552 = arith.select %eq3A_550, %jit3A_551, %jit3A_548 : i32
        %rem3A_553 = arith.remsi %sub3A_524, %select_n3A_552 : i32
        %ne3A_554 = arith.constant 0 : i32
        %ne3A_555 = arith.cmpi ne, %rem3A_553, %ne3A_554 : i32
        %lt3A_556 = arith.constant 0 : i32
        %lt3A_557 = arith.cmpi slt, %rem3A_553, %lt3A_556 : i32
        %lt3A_558 = arith.constant 0 : i32
        %lt3A_559 = arith.cmpi slt, %select_n3A_552, %lt3A_558 : i32
        %ne3A_560 = arith.xori %lt3A_557, %lt3A_559 : i1
        %and3A_561 = arith.andi %ne3A_560, %ne3A_555 : i1
        %add3A_562 = arith.addi %rem3A_553, %select_n3A_552 : i32
        %select_n3A_563 = arith.select %and3A_561, %add3A_562, %rem3A_553 : i32
        %mul3A_564 = arith.constant 128 : i32
        %mul3A_565 = arith.muli %select_n3A_563, %mul3A_564 : i32
        %dma_start3A_566 = arith.constant 1 : i32
        %dma_start3A_567 = arith.constant 1 : i32
        %dma_start3A_568 = arith.constant 0 : i32
        %dma_start3A_569 = arith.constant 0 : i32
        %dma_start3A_570 = tpu.memref_slice %arg8[%dma_start3A_566, %dma_start3A_568, %dma_start3A_569] : memref<4x128x64xf32, #tpu.memory_space<vmem>> -> memref<1x128x64xf32, #tpu.memory_space<vmem>>
        %dma_start3A_571 = tpu.memref_squeeze %dma_start3A_570 : memref<1x128x64xf32, #tpu.memory_space<vmem>> -> memref<128x64xf32, #tpu.memory_space<vmem>>
        %dma_start3A_572 = arith.constant 0 : i32
        %dma_start3A_573 = tpu.memref_slice %arg5[%add3A_547, %mul3A_565, %dma_start3A_572] : memref<1024x1024x64xf32, #tpu.memory_space<hbm>> -> memref<1x128x64xf32, #tpu.memory_space<hbm>>
        %dma_start3A_574 = tpu.memref_squeeze %dma_start3A_573 : memref<1x128x64xf32, #tpu.memory_space<hbm>> -> memref<128x64xf32, #tpu.memory_space<hbm>>
        %dma_start3A_575 = tpu.memref_slice %arg10[%dma_start3A_567] : memref<4x!tpu.dma_semaphore, #tpu.memory_space<semaphore_mem>> -> memref<1x!tpu.dma_semaphore, #tpu.memory_space<semaphore_mem>>
        %dma_start3A_576 = tpu.memref_squeeze %dma_start3A_575 : memref<1x!tpu.dma_semaphore, #tpu.memory_space<semaphore_mem>> -> memref<!tpu.dma_semaphore, #tpu.memory_space<semaphore_mem>>
        %dma_start3A_577 = arith.constant 0 : i32
        %dma_start3A_578 = tpu.memref_slice %arg5[%add3A_547, %mul3A_565, %dma_start3A_577] : memref<1024x1024x64xf32, #tpu.memory_space<hbm>> -> memref<1x128x64xf32, #tpu.memory_space<hbm>>
        %dma_start3A_579 = tpu.memref_squeeze %dma_start3A_578 : memref<1x128x64xf32, #tpu.memory_space<hbm>> -> memref<128x64xf32, #tpu.memory_space<hbm>>
        %dma_start3A_580 = arith.constant 0 : i32
        %dma_start3A_581 = arith.constant 0 : i32
        %dma_start3A_582 = tpu.memref_slice %arg8[%dma_start3A_566, %dma_start3A_580, %dma_start3A_581] : memref<4x128x64xf32, #tpu.memory_space<vmem>> -> memref<1x128x64xf32, #tpu.memory_space<vmem>>
        %dma_start3A_583 = tpu.memref_squeeze %dma_start3A_582 : memref<1x128x64xf32, #tpu.memory_space<vmem>> -> memref<128x64xf32, #tpu.memory_space<vmem>>
        tpu.enqueue_dma source(%dma_start3A_583 : memref<128x64xf32, #tpu.memory_space<vmem>>) target(%dma_start3A_579 : memref<128x64xf32, #tpu.memory_space<hbm>>) target_semaphore(%dma_start3A_576 : memref<!tpu.dma_semaphore, #tpu.memory_space<semaphore_mem>>)
        %add3A_584 = arith.constant 2 : i32
        %add3A_585 = arith.addi %add3A_443, %add3A_584 : i32
        %lt3A_586 = arith.constant 256 : i32
        %lt3A_587 = arith.cmpi slt, %add3A_585, %lt3A_586 : i32
        %convert_element_type3A_588 = arith.extui %lt3A_587 : i1 to i32
        %cond3A_589 = arith.constant 0 : i32
        %cond3A_590 = arith.cmpi ne, %convert_element_type3A_588, %cond3A_589 : i32
        scf.if %cond3A_590 {
          %add3A_591 = arith.constant 2 : i32
          %add3A_592 = arith.addi %add3A_443, %add3A_591 : i32
          %mul3A_593 = arith.constant 256 : i32
          %mul3A_594 = arith.muli %add3A, %mul3A_593 : i32
          %add3A_595 = arith.addi %mul3A_594, %add3A_592 : i32
          %dma_start3A_596 = arith.constant 1 : i32
          %dma_start3A_597 = arith.constant 1 : i32
          %dma_start3A_598 = arith.constant 0 : i32
          %dma_start3A_599 = tpu.memref_slice %arg7[%dma_start3A_596, %dma_start3A_598] : memref<4x128xi32, #tpu.memory_space<vmem>> -> memref<1x128xi32, #tpu.memory_space<vmem>>
          %dma_start3A_600 = tpu.memref_squeeze %dma_start3A_599 : memref<1x128xi32, #tpu.memory_space<vmem>> -> memref<128xi32, #tpu.memory_space<vmem>>
          %dma_start3A_601 = arith.constant 0 : i32
          %dma_start3A_602 = tpu.memref_slice %arg2[%add3A_595, %dma_start3A_601] : memref<8192x128xi32, #tpu.memory_space<hbm>> -> memref<1x128xi32, #tpu.memory_space<hbm>>
          %dma_start3A_603 = tpu.memref_squeeze %dma_start3A_602 : memref<1x128xi32, #tpu.memory_space<hbm>> -> memref<128xi32, #tpu.memory_space<hbm>>
          %dma_start3A_604 = tpu.memref_slice %arg11[%dma_start3A_597] : memref<4x!tpu.dma_semaphore, #tpu.memory_space<semaphore_mem>> -> memref<1x!tpu.dma_semaphore, #tpu.memory_space<semaphore_mem>>
          %dma_start3A_605 = tpu.memref_squeeze %dma_start3A_604 : memref<1x!tpu.dma_semaphore, #tpu.memory_space<semaphore_mem>> -> memref<!tpu.dma_semaphore, #tpu.memory_space<semaphore_mem>>
          %dma_start3A_606 = arith.constant 0 : i32
          %dma_start3A_607 = tpu.memref_slice %arg7[%dma_start3A_596, %dma_start3A_606] : memref<4x128xi32, #tpu.memory_space<vmem>> -> memref<1x128xi32, #tpu.memory_space<vmem>>
          %dma_start3A_608 = tpu.memref_squeeze %dma_start3A_607 : memref<1x128xi32, #tpu.memory_space<vmem>> -> memref<128xi32, #tpu.memory_space<vmem>>
          %dma_start3A_609 = arith.constant 0 : i32
          %dma_start3A_610 = tpu.memref_slice %arg2[%add3A_595, %dma_start3A_609] : memref<8192x128xi32, #tpu.memory_space<hbm>> -> memref<1x128xi32, #tpu.memory_space<hbm>>
          %dma_start3A_611 = tpu.memref_squeeze %dma_start3A_610 : memref<1x128xi32, #tpu.memory_space<hbm>> -> memref<128xi32, #tpu.memory_space<hbm>>
          tpu.enqueue_dma source(%dma_start3A_611 : memref<128xi32, #tpu.memory_space<hbm>>) target(%dma_start3A_608 : memref<128xi32, #tpu.memory_space<vmem>>) target_semaphore(%dma_start3A_605 : memref<!tpu.dma_semaphore, #tpu.memory_space<semaphore_mem>>)
        } else {
        }
      } else {
      }
    }
    %scan3A_86 = arith.constant 64 : i32
    %dma_wait3A = arith.constant 2 : i32
    %dma_wait3A_87 = arith.constant 2 : i32
    %dma_wait3A_88 = arith.constant 2 : i32
    %dma_wait3A_89 = arith.constant 0 : i32
    %dma_wait3A_90 = arith.constant 0 : i32
    %dma_wait3A_91 = tpu.memref_slice %arg8[%dma_wait3A_87, %dma_wait3A_89, %dma_wait3A_90] : memref<4x128x64xf32, #tpu.memory_space<vmem>> -> memref<1x128x64xf32, #tpu.memory_space<vmem>>
    %dma_wait3A_92 = tpu.memref_squeeze %dma_wait3A_91 : memref<1x128x64xf32, #tpu.memory_space<vmem>> -> memref<128x64xf32, #tpu.memory_space<vmem>>
    %dma_wait3A_93 = arith.constant 0 : i32
    %dma_wait3A_94 = tpu.memref_slice %arg7[%dma_wait3A, %dma_wait3A_93] : memref<4x128xi32, #tpu.memory_space<vmem>> -> memref<1x128xi32, #tpu.memory_space<vmem>>
    %dma_wait3A_95 = tpu.memref_squeeze %dma_wait3A_94 : memref<1x128xi32, #tpu.memory_space<vmem>> -> memref<128xi32, #tpu.memory_space<vmem>>
    %dma_wait3A_96 = arith.constant 0 : i32
    %dma_wait3A_97 = arith.constant 0 : i32
    %dma_wait3A_98 = tpu.memref_slice %arg3[%dma_wait3A_96, %dma_wait3A_97] : memref<1000000x64xf32, #tpu.memory_space<hbm>> -> memref<1000000x64xf32, #tpu.memory_space<hbm>>
    %dma_wait3A_99 = tpu.memref_slice %arg9[%dma_wait3A_88] : memref<4x!tpu.dma_semaphore, #tpu.memory_space<semaphore_mem>> -> memref<1x!tpu.dma_semaphore, #tpu.memory_space<semaphore_mem>>
    %dma_wait3A_100 = tpu.memref_squeeze %dma_wait3A_99 : memref<1x!tpu.dma_semaphore, #tpu.memory_space<semaphore_mem>> -> memref<!tpu.dma_semaphore, #tpu.memory_space<semaphore_mem>>
    tpu.wait_indirect_dma semaphore(%dma_wait3A_100 : memref<!tpu.dma_semaphore, #tpu.memory_space<semaphore_mem>>) src(%dma_wait3A_98 : memref<1000000x64xf32, #tpu.memory_space<hbm>>) dst(%dma_wait3A_92 : memref<128x64xf32, #tpu.memory_space<vmem>>)
    %add3A_101 = arith.constant 31 : i32
    %add3A_102 = arith.addi %mul3A_2, %add3A_101 : i32
    %dma_start3A_103 = arith.constant 2 : i32
    %dma_start3A_104 = arith.constant 2 : i32
    %dma_start3A_105 = arith.constant 0 : i32
    %dma_start3A_106 = arith.constant 0 : i32
    %dma_start3A_107 = tpu.memref_slice %arg8[%dma_start3A_103, %dma_start3A_105, %dma_start3A_106] : memref<4x128x64xf32, #tpu.memory_space<vmem>> -> memref<1x128x64xf32, #tpu.memory_space<vmem>>
    %dma_start3A_108 = tpu.memref_squeeze %dma_start3A_107 : memref<1x128x64xf32, #tpu.memory_space<vmem>> -> memref<128x64xf32, #tpu.memory_space<vmem>>
    %dma_start3A_109 = arith.constant 768 : i32
    %dma_start3A_110 = arith.constant 0 : i32
    %dma_start3A_111 = tpu.memref_slice %arg5[%add3A_102, %dma_start3A_109, %dma_start3A_110] : memref<1024x1024x64xf32, #tpu.memory_space<hbm>> -> memref<1x128x64xf32, #tpu.memory_space<hbm>>
    %dma_start3A_112 = tpu.memref_squeeze %dma_start3A_111 : memref<1x128x64xf32, #tpu.memory_space<hbm>> -> memref<128x64xf32, #tpu.memory_space<hbm>>
    %dma_start3A_113 = tpu.memref_slice %arg10[%dma_start3A_104] : memref<4x!tpu.dma_semaphore, #tpu.memory_space<semaphore_mem>> -> memref<1x!tpu.dma_semaphore, #tpu.memory_space<semaphore_mem>>
    %dma_start3A_114 = tpu.memref_squeeze %dma_start3A_113 : memref<1x!tpu.dma_semaphore, #tpu.memory_space<semaphore_mem>> -> memref<!tpu.dma_semaphore, #tpu.memory_space<semaphore_mem>>
    %dma_start3A_115 = arith.constant 768 : i32
    %dma_start3A_116 = arith.constant 0 : i32
    %dma_start3A_117 = tpu.memref_slice %arg5[%add3A_102, %dma_start3A_115, %dma_start3A_116] : memref<1024x1024x64xf32, #tpu.memory_space<hbm>> -> memref<1x128x64xf32, #tpu.memory_space<hbm>>
    %dma_start3A_118 = tpu.memref_squeeze %dma_start3A_117 : memref<1x128x64xf32, #tpu.memory_space<hbm>> -> memref<128x64xf32, #tpu.memory_space<hbm>>
    %dma_start3A_119 = arith.constant 0 : i32
    %dma_start3A_120 = arith.constant 0 : i32
    %dma_start3A_121 = tpu.memref_slice %arg8[%dma_start3A_103, %dma_start3A_119, %dma_start3A_120] : memref<4x128x64xf32, #tpu.memory_space<vmem>> -> memref<1x128x64xf32, #tpu.memory_space<vmem>>
    %dma_start3A_122 = tpu.memref_squeeze %dma_start3A_121 : memref<1x128x64xf32, #tpu.memory_space<vmem>> -> memref<128x64xf32, #tpu.memory_space<vmem>>
    tpu.enqueue_dma source(%dma_start3A_122 : memref<128x64xf32, #tpu.memory_space<vmem>>) target(%dma_start3A_118 : memref<128x64xf32, #tpu.memory_space<hbm>>) target_semaphore(%dma_start3A_114 : memref<!tpu.dma_semaphore, #tpu.memory_space<semaphore_mem>>)
    %dma_wait3A_123 = arith.constant 3 : i32
    %dma_wait3A_124 = arith.constant 3 : i32
    %dma_wait3A_125 = arith.constant 3 : i32
    %dma_wait3A_126 = arith.constant 0 : i32
    %dma_wait3A_127 = arith.constant 0 : i32
    %dma_wait3A_128 = tpu.memref_slice %arg8[%dma_wait3A_124, %dma_wait3A_126, %dma_wait3A_127] : memref<4x128x64xf32, #tpu.memory_space<vmem>> -> memref<1x128x64xf32, #tpu.memory_space<vmem>>
    %dma_wait3A_129 = tpu.memref_squeeze %dma_wait3A_128 : memref<1x128x64xf32, #tpu.memory_space<vmem>> -> memref<128x64xf32, #tpu.memory_space<vmem>>
    %dma_wait3A_130 = arith.constant 0 : i32
    %dma_wait3A_131 = tpu.memref_slice %arg7[%dma_wait3A_123, %dma_wait3A_130] : memref<4x128xi32, #tpu.memory_space<vmem>> -> memref<1x128xi32, #tpu.memory_space<vmem>>
    %dma_wait3A_132 = tpu.memref_squeeze %dma_wait3A_131 : memref<1x128xi32, #tpu.memory_space<vmem>> -> memref<128xi32, #tpu.memory_space<vmem>>
    %dma_wait3A_133 = arith.constant 0 : i32
    %dma_wait3A_134 = arith.constant 0 : i32
    %dma_wait3A_135 = tpu.memref_slice %arg3[%dma_wait3A_133, %dma_wait3A_134] : memref<1000000x64xf32, #tpu.memory_space<hbm>> -> memref<1000000x64xf32, #tpu.memory_space<hbm>>
    %dma_wait3A_136 = tpu.memref_slice %arg9[%dma_wait3A_125] : memref<4x!tpu.dma_semaphore, #tpu.memory_space<semaphore_mem>> -> memref<1x!tpu.dma_semaphore, #tpu.memory_space<semaphore_mem>>
    %dma_wait3A_137 = tpu.memref_squeeze %dma_wait3A_136 : memref<1x!tpu.dma_semaphore, #tpu.memory_space<semaphore_mem>> -> memref<!tpu.dma_semaphore, #tpu.memory_space<semaphore_mem>>
    tpu.wait_indirect_dma semaphore(%dma_wait3A_137 : memref<!tpu.dma_semaphore, #tpu.memory_space<semaphore_mem>>) src(%dma_wait3A_135 : memref<1000000x64xf32, #tpu.memory_space<hbm>>) dst(%dma_wait3A_129 : memref<128x64xf32, #tpu.memory_space<vmem>>)
    %add3A_138 = arith.constant 31 : i32
    %add3A_139 = arith.addi %mul3A_2, %add3A_138 : i32
    %dma_start3A_140 = arith.constant 3 : i32
    %dma_start3A_141 = arith.constant 3 : i32
    %dma_start3A_142 = arith.constant 0 : i32
    %dma_start3A_143 = arith.constant 0 : i32
    %dma_start3A_144 = tpu.memref_slice %arg8[%dma_start3A_140, %dma_start3A_142, %dma_start3A_143] : memref<4x128x64xf32, #tpu.memory_space<vmem>> -> memref<1x128x64xf32, #tpu.memory_space<vmem>>
    %dma_start3A_145 = tpu.memref_squeeze %dma_start3A_144 : memref<1x128x64xf32, #tpu.memory_space<vmem>> -> memref<128x64xf32, #tpu.memory_space<vmem>>
    %dma_start3A_146 = arith.constant 896 : i32
    %dma_start3A_147 = arith.constant 0 : i32
    %dma_start3A_148 = tpu.memref_slice %arg5[%add3A_139, %dma_start3A_146, %dma_start3A_147] : memref<1024x1024x64xf32, #tpu.memory_space<hbm>> -> memref<1x128x64xf32, #tpu.memory_space<hbm>>
    %dma_start3A_149 = tpu.memref_squeeze %dma_start3A_148 : memref<1x128x64xf32, #tpu.memory_space<hbm>> -> memref<128x64xf32, #tpu.memory_space<hbm>>
    %dma_start3A_150 = tpu.memref_slice %arg10[%dma_start3A_141] : memref<4x!tpu.dma_semaphore, #tpu.memory_space<semaphore_mem>> -> memref<1x!tpu.dma_semaphore, #tpu.memory_space<semaphore_mem>>
    %dma_start3A_151 = tpu.memref_squeeze %dma_start3A_150 : memref<1x!tpu.dma_semaphore, #tpu.memory_space<semaphore_mem>> -> memref<!tpu.dma_semaphore, #tpu.memory_space<semaphore_mem>>
    %dma_start3A_152 = arith.constant 896 : i32
    %dma_start3A_153 = arith.constant 0 : i32
    %dma_start3A_154 = tpu.memref_slice %arg5[%add3A_139, %dma_start3A_152, %dma_start3A_153] : memref<1024x1024x64xf32, #tpu.memory_space<hbm>> -> memref<1x128x64xf32, #tpu.memory_space<hbm>>
    %dma_start3A_155 = tpu.memref_squeeze %dma_start3A_154 : memref<1x128x64xf32, #tpu.memory_space<hbm>> -> memref<128x64xf32, #tpu.memory_space<hbm>>
    %dma_start3A_156 = arith.constant 0 : i32
    %dma_start3A_157 = arith.constant 0 : i32
    %dma_start3A_158 = tpu.memref_slice %arg8[%dma_start3A_140, %dma_start3A_156, %dma_start3A_157] : memref<4x128x64xf32, #tpu.memory_space<vmem>> -> memref<1x128x64xf32, #tpu.memory_space<vmem>>
    %dma_start3A_159 = tpu.memref_squeeze %dma_start3A_158 : memref<1x128x64xf32, #tpu.memory_space<vmem>> -> memref<128x64xf32, #tpu.memory_space<vmem>>
    tpu.enqueue_dma source(%dma_start3A_159 : memref<128x64xf32, #tpu.memory_space<vmem>>) target(%dma_start3A_155 : memref<128x64xf32, #tpu.memory_space<hbm>>) target_semaphore(%dma_start3A_151 : memref<!tpu.dma_semaphore, #tpu.memory_space<semaphore_mem>>)
    %dma_wait3A_160 = arith.constant 0 : i32
    %dma_wait3A_161 = arith.constant 0 : i32
    %dma_wait3A_162 = arith.constant 0 : i32
    %dma_wait3A_163 = arith.constant 0 : i32
    %dma_wait3A_164 = arith.constant 0 : i32
    %dma_wait3A_165 = tpu.memref_slice %arg8[%dma_wait3A_160, %dma_wait3A_163, %dma_wait3A_164] : memref<4x128x64xf32, #tpu.memory_space<vmem>> -> memref<1x128x64xf32, #tpu.memory_space<vmem>>
    %dma_wait3A_166 = tpu.memref_squeeze %dma_wait3A_165 : memref<1x128x64xf32, #tpu.memory_space<vmem>> -> memref<128x64xf32, #tpu.memory_space<vmem>>
    %dma_wait3A_167 = arith.constant 0 : i32
    %dma_wait3A_168 = arith.constant 0 : i32
    %dma_wait3A_169 = tpu.memref_slice %arg5[%dma_wait3A_161, %dma_wait3A_167, %dma_wait3A_168] : memref<1024x1024x64xf32, #tpu.memory_space<hbm>> -> memref<1x128x64xf32, #tpu.memory_space<hbm>>
    %dma_wait3A_170 = tpu.memref_squeeze %dma_wait3A_169 : memref<1x128x64xf32, #tpu.memory_space<hbm>> -> memref<128x64xf32, #tpu.memory_space<hbm>>
    %dma_wait3A_171 = tpu.memref_slice %arg10[%dma_wait3A_162] : memref<4x!tpu.dma_semaphore, #tpu.memory_space<semaphore_mem>> -> memref<1x!tpu.dma_semaphore, #tpu.memory_space<semaphore_mem>>
    %dma_wait3A_172 = tpu.memref_squeeze %dma_wait3A_171 : memref<1x!tpu.dma_semaphore, #tpu.memory_space<semaphore_mem>> -> memref<!tpu.dma_semaphore, #tpu.memory_space<semaphore_mem>>
    %dma_wait3A_173 = arith.constant 0 : i32
    %dma_wait3A_174 = arith.constant 0 : i32
    %dma_wait3A_175 = tpu.memref_slice %arg5[%dma_wait3A_161, %dma_wait3A_173, %dma_wait3A_174] : memref<1024x1024x64xf32, #tpu.memory_space<hbm>> -> memref<1x128x64xf32, #tpu.memory_space<hbm>>
    %dma_wait3A_176 = tpu.memref_squeeze %dma_wait3A_175 : memref<1x128x64xf32, #tpu.memory_space<hbm>> -> memref<128x64xf32, #tpu.memory_space<hbm>>
    %dma_wait3A_177 = arith.constant 0 : i32
    %dma_wait3A_178 = arith.constant 0 : i32
    %dma_wait3A_179 = tpu.memref_slice %arg8[%dma_wait3A_160, %dma_wait3A_177, %dma_wait3A_178] : memref<4x128x64xf32, #tpu.memory_space<vmem>> -> memref<1x128x64xf32, #tpu.memory_space<vmem>>
    %dma_wait3A_180 = tpu.memref_squeeze %dma_wait3A_179 : memref<1x128x64xf32, #tpu.memory_space<vmem>> -> memref<128x64xf32, #tpu.memory_space<vmem>>
    tpu.wait_dma2 semaphore(%dma_wait3A_172 : memref<!tpu.dma_semaphore, #tpu.memory_space<semaphore_mem>>) src(%dma_wait3A_180 : memref<128x64xf32, #tpu.memory_space<vmem>>) dst(%dma_wait3A_176 : memref<128x64xf32, #tpu.memory_space<hbm>>)
    %dma_wait3A_181 = arith.constant 1 : i32
    %dma_wait3A_182 = arith.constant 0 : i32
    %dma_wait3A_183 = arith.constant 1 : i32
    %dma_wait3A_184 = arith.constant 0 : i32
    %dma_wait3A_185 = arith.constant 0 : i32
    %dma_wait3A_186 = tpu.memref_slice %arg8[%dma_wait3A_181, %dma_wait3A_184, %dma_wait3A_185] : memref<4x128x64xf32, #tpu.memory_space<vmem>> -> memref<1x128x64xf32, #tpu.memory_space<vmem>>
    %dma_wait3A_187 = tpu.memref_squeeze %dma_wait3A_186 : memref<1x128x64xf32, #tpu.memory_space<vmem>> -> memref<128x64xf32, #tpu.memory_space<vmem>>
    %dma_wait3A_188 = arith.constant 0 : i32
    %dma_wait3A_189 = arith.constant 0 : i32
    %dma_wait3A_190 = tpu.memref_slice %arg5[%dma_wait3A_182, %dma_wait3A_188, %dma_wait3A_189] : memref<1024x1024x64xf32, #tpu.memory_space<hbm>> -> memref<1x128x64xf32, #tpu.memory_space<hbm>>
    %dma_wait3A_191 = tpu.memref_squeeze %dma_wait3A_190 : memref<1x128x64xf32, #tpu.memory_space<hbm>> -> memref<128x64xf32, #tpu.memory_space<hbm>>
    %dma_wait3A_192 = tpu.memref_slice %arg10[%dma_wait3A_183] : memref<4x!tpu.dma_semaphore, #tpu.memory_space<semaphore_mem>> -> memref<1x!tpu.dma_semaphore, #tpu.memory_space<semaphore_mem>>
    %dma_wait3A_193 = tpu.memref_squeeze %dma_wait3A_192 : memref<1x!tpu.dma_semaphore, #tpu.memory_space<semaphore_mem>> -> memref<!tpu.dma_semaphore, #tpu.memory_space<semaphore_mem>>
    %dma_wait3A_194 = arith.constant 0 : i32
    %dma_wait3A_195 = arith.constant 0 : i32
    %dma_wait3A_196 = tpu.memref_slice %arg5[%dma_wait3A_182, %dma_wait3A_194, %dma_wait3A_195] : memref<1024x1024x64xf32, #tpu.memory_space<hbm>> -> memref<1x128x64xf32, #tpu.memory_space<hbm>>
    %dma_wait3A_197 = tpu.memref_squeeze %dma_wait3A_196 : memref<1x128x64xf32, #tpu.memory_space<hbm>> -> memref<128x64xf32, #tpu.memory_space<hbm>>
    %dma_wait3A_198 = arith.constant 0 : i32
    %dma_wait3A_199 = arith.constant 0 : i32
    %dma_wait3A_200 = tpu.memref_slice %arg8[%dma_wait3A_181, %dma_wait3A_198, %dma_wait3A_199] : memref<4x128x64xf32, #tpu.memory_space<vmem>> -> memref<1x128x64xf32, #tpu.memory_space<vmem>>
    %dma_wait3A_201 = tpu.memref_squeeze %dma_wait3A_200 : memref<1x128x64xf32, #tpu.memory_space<vmem>> -> memref<128x64xf32, #tpu.memory_space<vmem>>
    tpu.wait_dma2 semaphore(%dma_wait3A_193 : memref<!tpu.dma_semaphore, #tpu.memory_space<semaphore_mem>>) src(%dma_wait3A_201 : memref<128x64xf32, #tpu.memory_space<vmem>>) dst(%dma_wait3A_197 : memref<128x64xf32, #tpu.memory_space<hbm>>)
    %dma_wait3A_202 = arith.constant 2 : i32
    %dma_wait3A_203 = arith.constant 0 : i32
    %dma_wait3A_204 = arith.constant 2 : i32
    %dma_wait3A_205 = arith.constant 0 : i32
    %dma_wait3A_206 = arith.constant 0 : i32
    %dma_wait3A_207 = tpu.memref_slice %arg8[%dma_wait3A_202, %dma_wait3A_205, %dma_wait3A_206] : memref<4x128x64xf32, #tpu.memory_space<vmem>> -> memref<1x128x64xf32, #tpu.memory_space<vmem>>
    %dma_wait3A_208 = tpu.memref_squeeze %dma_wait3A_207 : memref<1x128x64xf32, #tpu.memory_space<vmem>> -> memref<128x64xf32, #tpu.memory_space<vmem>>
    %dma_wait3A_209 = arith.constant 0 : i32
    %dma_wait3A_210 = arith.constant 0 : i32
    %dma_wait3A_211 = tpu.memref_slice %arg5[%dma_wait3A_203, %dma_wait3A_209, %dma_wait3A_210] : memref<1024x1024x64xf32, #tpu.memory_space<hbm>> -> memref<1x128x64xf32, #tpu.memory_space<hbm>>
    %dma_wait3A_212 = tpu.memref_squeeze %dma_wait3A_211 : memref<1x128x64xf32, #tpu.memory_space<hbm>> -> memref<128x64xf32, #tpu.memory_space<hbm>>
    %dma_wait3A_213 = tpu.memref_slice %arg10[%dma_wait3A_204] : memref<4x!tpu.dma_semaphore, #tpu.memory_space<semaphore_mem>> -> memref<1x!tpu.dma_semaphore, #tpu.memory_space<semaphore_mem>>
    %dma_wait3A_214 = tpu.memref_squeeze %dma_wait3A_213 : memref<1x!tpu.dma_semaphore, #tpu.memory_space<semaphore_mem>> -> memref<!tpu.dma_semaphore, #tpu.memory_space<semaphore_mem>>
    %dma_wait3A_215 = arith.constant 0 : i32
    %dma_wait3A_216 = arith.constant 0 : i32
    %dma_wait3A_217 = tpu.memref_slice %arg5[%dma_wait3A_203, %dma_wait3A_215, %dma_wait3A_216] : memref<1024x1024x64xf32, #tpu.memory_space<hbm>> -> memref<1x128x64xf32, #tpu.memory_space<hbm>>
    %dma_wait3A_218 = tpu.memref_squeeze %dma_wait3A_217 : memref<1x128x64xf32, #tpu.memory_space<hbm>> -> memref<128x64xf32, #tpu.memory_space<hbm>>
    %dma_wait3A_219 = arith.constant 0 : i32
    %dma_wait3A_220 = arith.constant 0 : i32
    %dma_wait3A_221 = tpu.memref_slice %arg8[%dma_wait3A_202, %dma_wait3A_219, %dma_wait3A_220] : memref<4x128x64xf32, #tpu.memory_space<vmem>> -> memref<1x128x64xf32, #tpu.memory_space<vmem>>
    %dma_wait3A_222 = tpu.memref_squeeze %dma_wait3A_221 : memref<1x128x64xf32, #tpu.memory_space<vmem>> -> memref<128x64xf32, #tpu.memory_space<vmem>>
    tpu.wait_dma2 semaphore(%dma_wait3A_214 : memref<!tpu.dma_semaphore, #tpu.memory_space<semaphore_mem>>) src(%dma_wait3A_222 : memref<128x64xf32, #tpu.memory_space<vmem>>) dst(%dma_wait3A_218 : memref<128x64xf32, #tpu.memory_space<hbm>>)
    %dma_wait3A_223 = arith.constant 3 : i32
    %dma_wait3A_224 = arith.constant 0 : i32
    %dma_wait3A_225 = arith.constant 3 : i32
    %dma_wait3A_226 = arith.constant 0 : i32
    %dma_wait3A_227 = arith.constant 0 : i32
    %dma_wait3A_228 = tpu.memref_slice %arg8[%dma_wait3A_223, %dma_wait3A_226, %dma_wait3A_227] : memref<4x128x64xf32, #tpu.memory_space<vmem>> -> memref<1x128x64xf32, #tpu.memory_space<vmem>>
    %dma_wait3A_229 = tpu.memref_squeeze %dma_wait3A_228 : memref<1x128x64xf32, #tpu.memory_space<vmem>> -> memref<128x64xf32, #tpu.memory_space<vmem>>
    %dma_wait3A_230 = arith.constant 0 : i32
    %dma_wait3A_231 = arith.constant 0 : i32
    %dma_wait3A_232 = tpu.memref_slice %arg5[%dma_wait3A_224, %dma_wait3A_230, %dma_wait3A_231] : memref<1024x1024x64xf32, #tpu.memory_space<hbm>> -> memref<1x128x64xf32, #tpu.memory_space<hbm>>
    %dma_wait3A_233 = tpu.memref_squeeze %dma_wait3A_232 : memref<1x128x64xf32, #tpu.memory_space<hbm>> -> memref<128x64xf32, #tpu.memory_space<hbm>>
    %dma_wait3A_234 = tpu.memref_slice %arg10[%dma_wait3A_225] : memref<4x!tpu.dma_semaphore, #tpu.memory_space<semaphore_mem>> -> memref<1x!tpu.dma_semaphore, #tpu.memory_space<semaphore_mem>>
    %dma_wait3A_235 = tpu.memref_squeeze %dma_wait3A_234 : memref<1x!tpu.dma_semaphore, #tpu.memory_space<semaphore_mem>> -> memref<!tpu.dma_semaphore, #tpu.memory_space<semaphore_mem>>
    %dma_wait3A_236 = arith.constant 0 : i32
    %dma_wait3A_237 = arith.constant 0 : i32
    %dma_wait3A_238 = tpu.memref_slice %arg5[%dma_wait3A_224, %dma_wait3A_236, %dma_wait3A_237] : memref<1024x1024x64xf32, #tpu.memory_space<hbm>> -> memref<1x128x64xf32, #tpu.memory_space<hbm>>
    %dma_wait3A_239 = tpu.memref_squeeze %dma_wait3A_238 : memref<1x128x64xf32, #tpu.memory_space<hbm>> -> memref<128x64xf32, #tpu.memory_space<hbm>>
    %dma_wait3A_240 = arith.constant 0 : i32
    %dma_wait3A_241 = arith.constant 0 : i32
    %dma_wait3A_242 = tpu.memref_slice %arg8[%dma_wait3A_223, %dma_wait3A_240, %dma_wait3A_241] : memref<4x128x64xf32, #tpu.memory_space<vmem>> -> memref<1x128x64xf32, #tpu.memory_space<vmem>>
    %dma_wait3A_243 = tpu.memref_squeeze %dma_wait3A_242 : memref<1x128x64xf32, #tpu.memory_space<vmem>> -> memref<128x64xf32, #tpu.memory_space<vmem>>
    tpu.wait_dma2 semaphore(%dma_wait3A_235 : memref<!tpu.dma_semaphore, #tpu.memory_space<semaphore_mem>>) src(%dma_wait3A_243 : memref<128x64xf32, #tpu.memory_space<vmem>>) dst(%dma_wait3A_239 : memref<128x64xf32, #tpu.memory_space<hbm>>)
    return
  }
}

</mosaic_0001>

<sc_bundles>
// kernel: kernel.3.cloned.1.call-start
scs
__scs_entry_jumppad:
0x0: {  	(pc) =	sbr.rel $0x88, $3  }
0x1: {  	(tag) =	ssettag $0x0;
	lr =	simm.s32 $0x1  }
0x2: {  	[smem:$0x3F9E] =	sst lr;
	_ =	strace $0xD0000000  }
0x3: {  	_ = 	snop  }
0x4: {  	_ = 	snop  }
0x5: {  	_ = 	snop  }
0x6: {  	_ = 	snop  }
0x7: {  	_ = 	snop  }
__scs_overlays_trampoline_lowered:
0x8: {  	[smem:$0x3FAD] =	sst s0  }
0x9: {  	[smem:$0x3FAE] =	sst s1  }
0xa: {  	[smem:$0x3FAF] =	sst s2  }
0xb: {  	[smem:$0x3FB0] =	sst s3  }
0xc: {  	[smem:$0x3FB1] =	sst s4  }
0xd: {  	[smem:$0x3FB2] =	sst s5  }
0xe: {  	[smem:$0x3FB3] =	sst s6  }
0xf: {  	[smem:$0x3FB4] =	sst s7  }
0x10: {  	[smem:$0x3FB5] =	sst s8  }
0x11: {  	[smem:$0x3FB6] =	sst s9;
	s0 =	simm.s32 @!p0 $0x0  }
0x12: {  	s1 =	sld [smem:$0x3F9C];
	s0 =	simm.s32 @p0 $0x1  }
0x13: {  	[smem:$0x3FB7] =	sst s0;
	s0 =	simm.s32 @!p1 $0x0  }
0x14: {  	s2 =	sld [smem:$0x3F9B];
	s0 =	simm.s32 @p1 $0x1  }
0x15: {  	[smem:$0x3FB8] =	sst s0;
	s0 =	simm.s32 @!p2 $0x0  }
0x16: {  	s3 =	sld [smem:$0x3FDB];
	s0 =	simm.s32 @p2 $0x1  }
0x17: {  	s4 =	simm.s32 $0x1BF5;
	[smem:$0x3FBA] =	sst s0  }
0x18: {  	s0 =	sld [smem:$0x3F9D];
	_ =	swait.ge [sflag:s4], $0x0  }
0x19: {  	s7 =	sld [smem:$0x3F9E]  }
0x1a: {  	s8 =	sadd.s32 $0xFFFFE003, lr  }
0x1b: {  	s9 =	sadd.s32 $0xFFFFFEF7, lr;
	s5 =	simm.s32 $0xFFFFFFFF;
	p2 =	slt.u32 s8, $0xFFFFF086  }
0x1c: {  	p1 =	slt.u32 s9, $0xF7A;
	s5 =	simm.s32 @!p2 $0x0  }
0x1d: {  	s5 =	simm.s32 @p1 $0x1;
	p0 =	seq.s32 s7, s2  }
0x1e: {  	s7 =	smul.u32 @!p0 $0xF7A, s2;
	p2 =	seq.s32 @!p0 s5, $0x0  }
0x1f: {  	s9 =	smul.u32 $0xF7A, s1;
	s8 =	simm.s32 @!p0 $0x1BF5;
	p2 =	por !p2, p0  }
0x20: {  	[sflag:s8] =	ssyncset.s32 @!p0 $0xFFFFF086;
	s6 =	sadd.s32 @!p0 s3, s7;
	s7 =	simm.s32 @!p0 $0x108  }
0x21: {  	s3 =	sadd.s32 s3, s9;
	s6 =	sadd.s32 @!p0 $0x88, s6;
	s7 =	simm.s32 @p2 $0x1082  }
0x22: {  	[simem:s7], [sflag:s8] =	dma.local @!p0 [hbm:s6], $0xF7A  }
0x23: {  	s9 =	sor.u32 $0xD0000000, s2;
	s6 =	simm.s32 $0x108;
	_ =	swait.ge @!p0 [sflag:s8], $0x0  }
0x24: {  	s3 =	sadd.s32 $0x88, s3;
	s6 =	simm.s32 @!p1 $0x1082;
	[sflag:s4] =	ssyncset.s32 $0xFFFFF086  }
0x25: {  	[simem:s6], [sflag:s4] =	dma.local [hbm:s3], $0xF7A  }
0x26: {  	[smem:$0x3F9E] =	sst s1;
	(tag) =	ssettag s2;
	_ =	strace s9  }
0x27: {  	s1 =	sld [smem:$0x3FAE]  }
0x28: {  	s2 =	sld [smem:$0x3FAF]  }
0x29: {  	s4 =	sld [smem:$0x3FB1]  }
0x2a: {  	p0 =	seq.s32 s5, $0x0;
	s5 =	sld [smem:$0x3FB2]  }
0x2b: {  	s6 =	sld [smem:$0x3FB3]  }
0x2c: {  	s7 =	sld [smem:$0x3FB4]  }
0x2d: {  	s3 =	simm.s32 $0x108;
	s8 =	sld [smem:$0x3FB5]  }
0x2e: {  	s3 =	simm.s32 @!p0 $0x1082;
	s9 =	sld [smem:$0x3FB6]  }
0x2f: {  	lr =	sadd.s32 s0, s3;
	s0 =	sld [smem:$0x3FAD]  }
0x30: {  	s3 =	sld [smem:$0x3FB0]  }
0x31: {  	[smem:$0x3FB9] =	sst s10  }
0x32: {  	s10 =	sld [smem:$0x3FB7];
	_ =	sdelay $0x3  }
0x33: {  	p0 =	seq.s32 s10, $0x1;
	s10 =	sld [smem:$0x3FB9];
	_ =	sdelay $0x3  }
0x34: {  	[smem:$0x3FB9] =	sst s10  }
0x35: {  	s10 =	sld [smem:$0x3FB8];
	_ =	sdelay $0x3  }
0x36: {  	p1 =	seq.s32 s10, $0x1;
	s10 =	sld [smem:$0x3FB9];
	_ =	sdelay $0x3  }
0x37: {  	[smem:$0x3FB9] =	sst s10  }
0x38: {  	s10 =	sld [smem:$0x3FBA]  }
0x39: {  	_ = 	snop;
	(pc) =	sbr.ind lr, $3  }
0x3a: {  	_ = 	snop  }
0x3b: {  	_ = 	snop  }
0x3c: {  	p2 =	seq.s32 s10, $0x1;
	s10 =	sld [smem:$0x3FB9]  }
0x3d: {  	_ =	shalt  }
0x3e: {  	_ =	shalt  }
0x3f: {  	_ =	shalt  }
0x40: {  	_ =	shalt  }
0x41: {  	_ =	shalt  }
0x42: {  	_ =	shalt  }
0x43: {  	_ =	shalt  }
0x44: {  	_ =	shalt  }
0x45: {  	_ =	shalt  }
0x46: {  	_ =	shalt  }
0x47: {  	_ =	shalt  }
0x48: {  	_ =	shalt  }
0x49: {  	_ =	shalt  }
0x4a: {  	_ =	shalt  }
0x4b: {  	_ =	shalt  }
0x4c: {  	_ =	shalt  }
0x4d: {  	_ =	shalt  }
0x4e: {  	_ =	shalt  }
0x4f: {  	_ =	shalt  }
0x50: {  	_ =	shalt  }
0x51: {  	_ =	shalt  }
0x52: {  	_ =	shalt  }
0x53: {  	_ =	shalt  }
0x54: {  	_ =	shalt  }
0x55: {  	_ =	shalt  }
0x56: {  	_ =	shalt  }
0x57: {  	_ =	shalt  }
0x58: {  	_ =	shalt  }
0x59: {  	_ =	shalt  }
0x5a: {  	_ =	shalt  }
0x5b: {  	_ =	shalt  }
0x5c: {  	_ =	shalt  }
0x5d: {  	_ =	shalt  }
0x5e: {  	_ =	shalt  }
0x5f: {  	_ =	shalt  }
0x60: {  	_ =	shalt  }
0x61: {  	_ =	shalt  }
0x62: {  	_ =	shalt  }
0x63: {  	_ =	shalt  }
0x64: {  	_ =	shalt  }
0x65: {  	_ =	shalt  }
0x66: {  	_ =	shalt  }
0x67: {  	_ =	shalt  }
0x68: {  	_ =	shalt  }
0x69: {  	_ =	shalt  }
0x6a: {  	_ =	shalt  }
0x6b: {  	_ =	shalt  }
0x6c: {  	_ =	shalt  }
0x6d: {  	_ =	shalt  }
0x6e: {  	_ =	shalt  }
0x6f: {  	_ =	shalt  }
0x70: {  	_ =	shalt  }
0x71: {  	_ =	shalt  }
0x72: {  	_ =	shalt  }
0x73: {  	_ =	shalt  }
0x74: {  	_ =	shalt  }
0x75: {  	_ =	shalt  }
0x76: {  	_ =	shalt  }
0x77: {  	_ =	shalt  }
0x78: {  	_ =	shalt  }
0x79: {  	_ =	shalt  }
0x7a: {  	_ =	shalt  }
0x7b: {  	_ =	shalt  }
0x7c: {  	_ =	shalt  }
0x7d: {  	_ =	shalt  }
0x7e: {  	_ =	shalt  }
0x7f: {  	_ =	shalt  }
0x80: {  	_ =	shalt  }
0x81: {  	_ =	shalt  }
0x82: {  	_ =	shalt  }
0x83: {  	_ =	shalt  }
0x84: {  	_ =	shalt  }
0x85: {  	_ =	shalt  }
0x86: {  	_ =	shalt  }
0x87: {  	_ =	shalt  }
.Lfunc_end0:
.L_simem_size_0:
called_computation.1_lowered:
.L_overlay_start_0:
0x88: {  	s2 =	sld [smem:$0x3FD9]  }
0x89: {  	s3 =	sld [smem:$0x3FFE];
	_ =	sdelay $0x1  }
0x8a: {  	s1 =	srdreg.scid  }
0x8b: {  	s0 =	sand.u32 $0x1, s1  }
0x8c: {  	s17 =	sshll.u32 s0, $0xA;
	s2 =	sadd.s32 s3, s2  }
0x8d: {  	s2 =	sadd.s32 s2, s17  }
0x8e: {  	[smem:$0x3FC5] =	sst s2  }
0x8f: {  	_ = 	snop  }
0x90: {  	s2 =	sld [smem:$0x3FD0];
	(tm) =	ssettm $0x1  }
0x91: {  	s18 =	sld [smem:$0x3FFB];
	_ =	sdelay $0x3  }
0x92: {  	_ =	strace s18  }
0x93: {  	s3 =	sld [smem:$0x3FFC];
	_ =	sdelay $0x3  }
0x94: {  	_ =	strace s3  }
0x95: {  	s3 =	sld [smem:$0x3FFD];
	_ =	sdelay $0x3  }
0x96: {  	_ =	strace s3  }
0x97: {  	_ =	strace $0x8FFFFFFF  }
0x98: {  	s19 =	sld [smem:$0x3FDB];
	_ =	sdelay $0x1  }
0x99: {  	s4 =	simm.s32 $_scs_section_size  }
0x9a: {  	s5 =	simm.s32 $_size__tile_overlayer_lowered;
	s6 =	simm.s32 $_tile_overlayer_lowered  }
0x9b: {  	s22 =	simm.s32 $0x1BFF;
	s21 =	sshll.u32 s6, $0x1;
	s3 =	sadd.s32 s4, s19  }
0x9c: {  	s7 =	simm.s32 $0x0;
	s20 =	sshll.u32 s5, $0x1;
	s5 =	sadd.s32 s21, s3  }
0x9d: {  	[timem:s7], [sflag:s22] =	dma.local [hbm:s5], s20  }
0x9e: {  	_ =	swait.ge [sflag:s22], s20  }
0x9f: {  	s4 =	ssub.s32 $0x0, s20;
	[sflag:s22] =	ssyncset.done $0x0  }
0xa0: {  	[sflag:s22] =	ssyncadd.s32 s4;
	_ =	sdelay $0x1  }
0xa1: {  	s23 =	simm.s32 $0x1B8B  }
0xa2: {  	_ =	swait.ge [sflag:s23], $0x1  }
0xa3: {  	[sflag:s23] =	ssyncset.done $0x0  }
0xa4: {  	s25 =	simm.s32 $0x1B8E;
	s24 =	sld [smem:$0x3FFE];
	[sflag:s23] =	ssyncadd.s32 $0xFFFFFFFF  }
0xa5: {  	s26 =	simm.s32 $execute0_lowered;
	[smem:$0x3FD2] =	sst s25  }
0xa6: {  	s5 =	sshll.u32 s26, $0x1;
	_ =	strace $0x80000046;
	[dreg:$0x1] =	wrdreg $0xFFFFFFFF  }
0xa7: {  	s28 =	simm.s32 $_size_execute0_lowered;
	s3 =	sadd.s32 s3, s5;
	[dreg:$0x0] =	wrdreg $0x0  }
0xa8: {  	s5 =	sshll.u32 s28, $0x1;
	[dreg:$0x2] =	wrdreg s3  }
0xa9: {  	[dreg:$0x3] =	wrdreg s5  }
0xaa: {  	[dreg:$0x4] =	wrdreg $0xC0  }
0xab: {  	_ =	task [dreg:s7], $0x5FFFF  }
0xac: {  	[dreg:$0x1] =	wrdreg $0xFFFFFFFF  }
0xad: {  	[dreg:$0x0] =	wrdreg $0x60  }
0xae: {  	[dreg:$0x2] =	wrdreg s24  }
0xaf: {  	[dreg:$0x3] =	wrdreg s2  }
0xb0: {  	[dreg:$0x4] =	wrdreg $0x9  }
0xb1: {  	_ =	task.clear_ibuf [dreg:s7], $0x5FFFF;
	_ =	strace $0x90000046  }
0xb2: {  	s29 =	simm.s32 $0x9;
	_ =	strace $0x80000048  }
0xb3: {  	_ =	swait.ge [sflag:s29], $0x1  }
0xb4: {  	[sflag:s29] =	ssyncadd.s32 $0xFFFFFFFF  }
0xb5: {  	_ =	strace $0x90000048  }
0xb6: {  	_ =	sfence  }
0xb7: {  	s30 =	sld [smem:$0x0];
	_ =	sdelay $0x2  }
0xb8: {  	s31 =	sshll.u32 s1, $0xD;
	s1 =	sshrl.u32 s1, $0x2  }
0xb9: {  	s3 =	sand.u32 $0x4000, s31;
	s1 =	sadd.s32 s1, s30  }
0xba: {  	s0 =	sor.u32 s3, s0;
	s1 =	sshll.u32 s1, $0x11  }
0xbb: {  	s0 =	sor.u32 s1, s0  }
0xbc: {  	s0 =	sadd.s32 $0x8F2B, s0  }
0xbd: {  	[sflag:s0] =	ssyncadd.remote.s32 $0x1  }
0xbe: {  	_ =	sfence.sel $0xFFFF  }
0xbf: {  	[dreg:$0x0] =	wrdreg $0xFFFFFFFF;
	(pc) =	sbr.abs _section_cstart, $3  }
0xc0: {  	[dreg:$0x1] =	wrdreg $0xFFFFFFFF  }
0xc1: {  	_ =	task.clear_ibuf [dreg:s7], $0x2FFFF;
	_ =	strace $0x9FFFFFFF  }
0xc2: {  	(tm) =	ssettm $0x7FFFFFFF  }
0xc3: {  	_ =	shalt  }
tec
execute0_lowered:
.L_overlay_start_1:
0x0: {  	(tag) =	ssettag $0x1  }
0x1: {  	s0 =	rddreg [dreg:$0x0]  }
0x2: {  	s1 =	rddreg [dreg:$0x1];
	s3 =	simm.s32 $0x0;
	s2 =	srdreg.scid  }
0x3: {  	s5 =	stileid.u32;
	s20 =	simm.s32 $0x10080;
	s23 =	simm.s32 $0x1  }
0x4: {  	s28 =	simm.s32 $0xA;
	s29 =	simm.s32 $0x12200;
	s30 =	simm.s32 $0xB  }
0x5: {  	s17 =	simm.s32 $0x8;
	s10 =	simm.s32 $0x0;
	[smem:$0x7FF] =	sst s3  }
0x6: {  	s2 =	sand.u32 $0x1, s2;
	s7 =	sshll.u32 s5, $0x1;
	s5 =	sadd.s32 $0xF64C00, s0  }
0x7: {  	s4 =	sadd.s32 $0x2800, s0;
	s0 =	sadd.s32 $0x800, s0;
	_ =	strace $0x80000047  }
0x8: {  	s6 =	ssub.s32 $0x2, s2;
	s2 =	sor.u32 s2, s7;
	[dreg:$0x3] =	wrdreg s0  }
0x9: {  	s8 =	sshrl.u32 s6, $0x1;
	s25 =	sshll.u32 s2, $0xC;
	s7 =	sshll.u32 s2, $0x5  }
0xa: {  	s24 =	ssub.s32 s6, s8;
	s8 =	sshll.u32 s2, $0x8;
	s6 =	sadd.s32 s4, s25  }
0xb: {  	s2 =	sshll.u32 s2, $0x12;
	s25 =	simm.s32 $0x80;
	s9 =	sadd.s32 $0x10, s6  }
0xc: {  	s26 =	sadd.s32 $0x20, s6;
	[dreg:$0x4] =	wrdreg s6;
	s6 =	sadd.s32 $0x30, s6  }
0xd: {  	s13 =	sor.u32 $0x4, s8;
	s2 =	sadd.s32 s2, s1;
	[dreg:$0x5] =	wrdreg s9  }
.Ltmp0:
0xe: {  	s14 =	sor.u32 $0x5, s8;
	[dreg:$0x6] =	wrdreg s26;
	(pc) =	sbr.rel .LBB2_1-.Ltmp0, $4  }
0xf: {  	s0 =	smax.u32 s24, $0x1;
	s24 =	simm.s32 $0x9;
	[dreg:$0x7] =	wrdreg s6  }
0x10: {  	s31 =	sadd.s32 $0x3F800, s2;
	s2 =	sadd.s32 $0x3FC00, s2;
	[dreg:$0xa] =	wrdreg s0  }
0x11: {  	s26 =	simm.s32 $0x10200;
	s0 =	simm.s32 $0xC;
	[dreg:$0x8] =	wrdreg s31  }
0x12: {  	s6 =	simm.s32 $0x2;
	[dreg:$0x9] =	wrdreg s2;
	s2 =	simm.s32 $0x16200  }
.LBB2_12:
0x13: {  	s9 =	simm.s32 $0x3  }
0x14: {  	_ =	swait.ge [sflag:s9], $0x2000  }
0x15: {  	s10 =	simm.s32 $0x14200;
	[sflag:s9] =	ssyncset.done $0x0  }
0x16: {  	s15 =	simm.s32 $0x4;
	s12 =	rddreg [dreg:$0x8];
	[sflag:s9] =	ssyncadd.s32 $0xFFFFE000  }
0x17: {  	[hbm4b:s12+s3] =	stream.linear.scatter [tilespmem:s10], [sflag:$0x7], $0x2000, $0x38;
	[tilespmem:$0x18200] =	vst v63  }
0x18: {  	_ =	swait.ge [sflag:s15], $0x2000  }
0x19: {  	[sflag:s15] =	ssyncset.done $0x0  }
0x1a: {  	s18 =	simm.s32 $0x5;
	s16 =	rddreg [dreg:$0x9];
	[sflag:s15] =	ssyncadd.s32 $0xFFFFE000  }
0x1b: {  	[hbm4b:s16+s3] =	stream.linear.scatter [tilespmem:s2], [sflag:$0x8], $0x2000, $0x38;
	[tilespmem:$0x18200] =	vst v63  }
0x1c: {  	_ =	swait.ge [sflag:s18], $0x2000  }
0x1d: {  	[sflag:s18] =	ssyncset.done $0x0  }
0x1e: {  	s19 =	simm.s32 $0x6;
	[sflag:s18] =	ssyncadd.s32 $0xFFFFE000  }
0x1f: {  	_ =	swait.ge [sflag:s19], $0x2000  }
0x20: {  	[sflag:s19] =	ssyncset.done $0x0  }
0x21: {  	s21 =	simm.s32 $0x7;
	[sflag:s19] =	ssyncadd.s32 $0xFFFFE000  }
0x22: {  	_ =	swait.ge [sflag:s21], $0x2000  }
0x23: {  	[sflag:s21] =	ssyncset.done $0x0  }
0x24: {  	[sflag:s21] =	ssyncadd.s32 $0xFFFFE000  }
0x25: {  	_ =	swait.ge [sflag:s17], $0x2000  }
0x26: {  	s22 =	rddreg [dreg:$0xb]  }
0x27: {  	s31 =	rddreg [dreg:$0xa];
	s10 =	sadd.s32 $0x1, s22  }
0x28: {  	p0 =	sne.s32 s10, s31  }
.Ltmp1:
0x29: {  	_ = 	snop;
	(pc) =	sbr.rel @!p0 .LBB2_13-.Ltmp1, $3  }
0x2a: {  	_ =	sdelay $0x1  }
0x2b: {  	[sflag:s17] =	ssyncset.done $0x0  }
0x2c: {  	[sflag:s17] =	ssyncadd.s32 $0xFFFFE000  }
.LBB2_1:
0x2d: {  	[dreg:$0xb] =	wrdreg s10  }
0x2e: {  	s9 =	rddreg [dreg:$0x3];
	s12 =	simm.s32 $0xD  }
0x2f: {  	[tilespmem:s3], [sflag:$0xD] =	stream.linear.gather [hbm4b:s9+s3], $0x10000, $0x38;
	[tilespmem:$0x18200] =	vst v63  }
0x30: {  	_ =	swait.ge [sflag:s12], $0x10000  }
0x31: {  	[sflag:s12] =	ssyncset.done $0x0  }
0x32: {  	s16 =	simm.s32 $0x10000;
	s15 =	rddreg [dreg:$0x4];
	[sflag:s12] =	ssyncadd.s32 $0xFFFF0000  }
0x33: {  	[tilespmem:s16], [sflag:$0x9] =	stream.linear.gather [hbm4b:s15+s3], $0x80, $0x38;
	[tilespmem:$0x18200] =	vst v63  }
0x34: {  	s18 =	rddreg [dreg:$0x5]  }
0x35: {  	[tilespmem:s20], [sflag:$0xA] =	stream.linear.gather [hbm4b:s18+s3], $0x80, $0x38;
	[tilespmem:$0x18200] =	vst v63  }
0x36: {  	s21 =	simm.s32 $0x10100;
	s31 =	simm.s32 $0x10180;
	s19 =	rddreg [dreg:$0x6]  }
0x37: {  	[tilespmem:s21], [sflag:$0xB] =	stream.linear.gather [hbm4b:s19+s3], $0x80, $0x38;
	[tilespmem:$0x18200] =	vst v63  }
0x38: {  	p0 =	por $0x0, $0x0;
	s22 =	rddreg [dreg:$0x7];
	s18 =	simm.s32 $0x0  }
0x39: {  	[tilespmem:s31], [sflag:$0xC] =	stream.linear.gather [hbm4b:s22+s3], $0x80, $0x38;
	[tilespmem:$0x18200] =	vst v63  }
.LBB2_2:
0x3a: {  	p1 =	seq.s32 s18, $0x0  }
0x3b: {  	s9 =	simm.s32 $0x1;
	s10 =	simm.s32 @!p1 $0x5  }
0x3c: {  	s9 =	simm.s32 @!p0 $0x0;
	_ =	swait.ge @!p1 [sflag:s10], $0x2000  }
0x3d: {  	s15 =	sshll.u32 s9, $0xF;
	[sflag:s10] =	ssyncset.done @!p1 $0x0  }
0x3e: {  	s11 =	sor.u32 $0x80, s15;
	[sflag:s10] =	ssyncadd.s32 @!p1 $0xFFFFE000  }
0x3f: {  	v1 =	vld [tilespmem:s11+$0xFFFFFFC0]  }
0x40: {  	v0 =	vld [tilespmem:s11+$0x40]  }
0x41: {  	v2 =	vld [tilespmem:s11+$0x0];
	_ =	sdelay $0x1  }
0x42: {  	s16 =	simm.s32 $0x10280  }
0x43: {  	v3 =	vld [tilespmem:s11+$0xFFFFFF80];
	[tilespmem:s16+$0xFFFFFFC0] =	vst v1  }
0x44: {  	[tilespmem:s16+$0x40] =	vst v0;
	v1 =	vld [tilespmem:s11+$0xFFFFFFD0]  }
0x45: {  	[tilespmem:s16+$0x0] =	vst v2;
	v0 =	vld [tilespmem:s11+$0x50]  }
0x46: {  	v2 =	vld [tilespmem:s11+$0x10]  }
0x47: {  	s9 =	sadd.s32 $0x100, s11  }
0x48: {  	v4 =	vld [tilespmem:s9+$0x40];
	[tilespmem:s16+$0xFFFFFF80] =	vst v3  }
0x49: {  	v3 =	vld [tilespmem:s11+$0xFFFFFF90];
	[tilespmem:s16+$0xFFFFFFD0] =	vst v1  }
0x4a: {  	[tilespmem:s16+$0x50] =	vst v0;
	v1 =	vld [tilespmem:s11+$0xFFFFFFE0]  }
0x4b: {  	[tilespmem:s16+$0x10] =	vst v2;
	v0 =	vld [tilespmem:s11+$0x60]  }
0x4c: {  	s19 =	simm.s32 $0x10380;
	v2 =	vld [tilespmem:s11+$0x20]  }
0x4d: {  	v5 =	vld [tilespmem:s9+$0xFFFFFFC0];
	[tilespmem:s19+$0x40] =	vst v4  }
0x4e: {  	v4 =	vld [tilespmem:s9+$0x50];
	[tilespmem:s16+$0xFFFFFF90] =	vst v3  }
0x4f: {  	[tilespmem:s16+$0xFFFFFFE0] =	vst v1;
	v1 =	vld [tilespmem:s9+$0x0]  }
0x50: {  	v3 =	vld [tilespmem:s9+$0xFFFFFF80];
	[tilespmem:s16+$0x60] =	vst v0  }
0x51: {  	[tilespmem:s16+$0x20] =	vst v2;
	v2 =	vld [tilespmem:s11+$0xFFFFFFA0]  }
0x52: {  	[tilespmem:s19+$0xFFFFFFC0] =	vst v5;
	v0 =	vld [tilespmem:s11+$0x70]  }
0x53: {  	v5 =	vld [tilespmem:s9+$0xFFFFFFD0];
	[tilespmem:s19+$0x50] =	vst v4  }
0x54: {  	[tilespmem:s19+$0x0] =	vst v1;
	v1 =	vld [tilespmem:s11+$0xFFFFFFF0]  }
0x55: {  	[tilespmem:s19+$0xFFFFFF80] =	vst v3;
	v6 =	vld [tilespmem:s9+$0x10]  }
0x56: {  	v7 =	vld [tilespmem:s9+$0xFFFFFF90];
	[tilespmem:s16+$0xFFFFFFA0] =	vst v2  }
0x57: {  	[tilespmem:s16+$0x70] =	vst v0;
	v0 =	vld [tilespmem:s11+$0xFFFFFFB0]  }
0x58: {  	[tilespmem:s19+$0xFFFFFFD0] =	vst v5;
	v2 =	vld [tilespmem:s9+$0x60]  }
0x59: {  	v3 =	vld [tilespmem:s9+$0xFFFFFFE0];
	[tilespmem:s16+$0xFFFFFFF0] =	vst v1  }
0x5a: {  	s21 =	sshll.u32 s18, $0x9;
	s12 =	sor.u32 $0x20F0, s15;
	s10 =	sshll.u32 s18, $0x2;
	v1 =	vld [tilespmem:s11+$0x30];
	[tilespmem:s19+$0x10] =	vst v6  }
0x5b: {  	s22 =	sadd.s32 $0x100, s9;
	[tilespmem:s19+$0xFFFFFF90] =	vst v7;
	s11 =	sand.u32 $0x200, s21;
	s21 =	simm.s32 $0x4;
	v4 =	vld [tilespmem:s9+$0x20]  }
.LBB2_3:
0x5c: {  	v5 =	vld [tilespmem:s22+$0x40];
	s21 =	sadd.s32 $0x4, s21;
	[tilespmem:s16+$0xFFFFFFB0] =	vst v0  }
0x5d: {  	v0 =	vld [tilespmem:s22+$0xFFFFFFC0];
	p2 =	slt.u32 s21, $0x7C;
	[tilespmem:s19+$0x60] =	vst v2  }
0x5e: {  	[tilespmem:s19+$0xFFFFFFE0] =	vst v3;
	v2 =	vld [tilespmem:s9+$0x70]  }
0x5f: {  	v3 =	vld [tilespmem:s22+$0x0];
	[tilespmem:s16+$0x30] =	vst v1;
	s16 =	smov.u32 s19  }
0x60: {  	s19 =	sadd.s32 $0x100, s19;
	v1 =	vld [tilespmem:s22+$0xFFFFFF80];
	[tilespmem:s16+$0x20] =	vst v4  }
0x61: {  	[tilespmem:s19+$0x40] =	vst v5;
	v4 =	vld [tilespmem:s9+$0xFFFFFFA0]  }
0x62: {  	[tilespmem:s19+$0xFFFFFFC0] =	vst v0;
	v0 =	vld [tilespmem:s22+$0x50]  }
0x63: {  	v5 =	vld [tilespmem:s22+$0xFFFFFFD0];
	[tilespmem:s16+$0x70] =	vst v2  }
0x64: {  	[tilespmem:s19+$0x0] =	vst v3;
	v6 =	vld [tilespmem:s9+$0xFFFFFFF0]  }
0x65: {  	[tilespmem:s19+$0xFFFFFF80] =	vst v1;
	v1 =	vld [tilespmem:s22+$0x10]  }
0x66: {  	v7 =	vld [tilespmem:s22+$0xFFFFFF90];
	[tilespmem:s16+$0xFFFFFFA0] =	vst v4  }
.Ltmp2:
0x67: {  	[tilespmem:s19+$0x50] =	vst v0;
	v0 =	vld [tilespmem:s9+$0xFFFFFFB0];
	(pc) =	sbr.rel @p2 .LBB2_3-.Ltmp2, $4  }
0x68: {  	[tilespmem:s19+$0xFFFFFFD0] =	vst v5;
	v2 =	vld [tilespmem:s22+$0x60]  }
0x69: {  	v3 =	vld [tilespmem:s22+$0xFFFFFFE0];
	[tilespmem:s16+$0xFFFFFFF0] =	vst v6  }
0x6a: {  	[tilespmem:s19+$0x10] =	vst v1;
	v1 =	vld [tilespmem:s9+$0x30];
	s9 =	smov.u32 s22  }
0x6b: {  	s22 =	sadd.s32 $0x100, s22;
	[tilespmem:s19+$0xFFFFFF90] =	vst v7;
	v4 =	vld [tilespmem:s9+$0x20]  }
0x6c: {  	v5 =	vld [tilespmem:s9+$0xFFFFFFA0]  }
0x6d: {  	[tilespmem:s16+$0xFFFFFFB0] =	vst v0  }
0x6e: {  	[tilespmem:s19+$0x60] =	vst v2  }
0x6f: {  	[tilespmem:s19+$0xFFFFFFE0] =	vst v3;
	v2 =	vld [tilespmem:s9+$0x70]  }
0x70: {  	v3 =	vld [tilespmem:s9+$0xFFFFFFF0];
	[tilespmem:s19+$0x20] =	vst v4  }
0x71: {  	[tilespmem:s19+$0xFFFFFFA0] =	vst v5;
	v0 =	vld [tilespmem:s9+$0x30]  }
0x72: {  	v4 =	vld [tilespmem:s9+$0xFFFFFFB0]  }
0x73: {  	[tilespmem:s16+$0x30] =	vst v1  }
0x74: {  	[tilespmem:s19+$0x70] =	vst v2  }
0x75: {  	s9 =	sadd.s32 @!p1 $0xFFFFFFFE, s10;
	[tilespmem:s19+$0xFFFFFFF0] =	vst v3  }
0x76: {  	s16 =	sshra.s32 @!p1 s9, $0x1F;
	[tilespmem:s19+$0x30] =	vst v0  }
0x77: {  	[tilespmem:s19+$0xFFFFFFB0] =	vst v4;
	s19 =	sshrl.u32 @!p1 s16, $0x1D  }
0x78: {  	s22 =	simm.s32 $0x10000;
	_ =	swait.ge [sflag:s24], $0x80;
	s19 =	sadd.s32 @!p1 s19, s9  }
0x79: {  	s16 =	sadd.s32 @!p1 s7, s16;
	[sflag:s24] =	ssyncset.done $0x0;
	s19 =	sshrl.u32 @!p1 s19, $0x3  }
0x7a: {  	s9 =	sshll.u32 @!p1 s9, $0xD;
	[sflag:s24] =	ssyncadd.s32 $0xFFFFFF80;
	s16 =	sadd.s32 @!p1 s19, s16  }
0x7b: {  	[tilespmem:s26], [sflag:$0x1] =	stream.indirect.gather.add.f32 [hbm:s5], $0x40, s22, s25, $0xb8;
	[tilespmem:$0x18200] =	vst v63  }
0x7c: {  	s21 =	simm.s32 @!p1 $0x3;
	s9 =	sand.u32 @!p1 $0xC000, s9;
	s16 =	sshll.u32 @!p1 s16, $0x10  }
0x7d: {  	_ =	swait.ge @!p1 [sflag:s21], $0x2000;
	s9 =	sor.u32 @!p1 s9, s16  }
0x7e: {  	s19 =	simm.s32 @!p1 $0x0;
	[sflag:s21] =	ssyncset.done @!p1 $0x0;
	s9 =	sshrl.u32 @!p1 s9, $0x3  }
0x7f: {  	s16 =	simm.s32 @!p1 $0x14200;
	[sflag:s21] =	ssyncadd.s32 @!p1 $0xFFFFE000;
	s9 =	sadd.s32 @!p1 s1, s9  }
0x80: {  	[hbm4b:s9+s19] =	stream.linear.scatter @!p1 [tilespmem:s16], [sflag:$0x7], $0x2000, $0x38;
	[tilespmem:$0x18200] =	vst v63  }
0x81: {  	s9 =	sadd.s32 @!p1 s10, s8  }
0x82: {  	s16 =	sshll.u32 @!p1 s9, $0x4  }
0x83: {  	s9 =	sadd.s32 @!p1 $0x20, s16  }
0x84: {  	s9 =	sand.u32 @!p1 $0x1FFFFFE0, s9  }
0x85: {  	s21 =	simm.s32 @!p1 $0x10100;
	s9 =	sadd.s32 @!p1 s4, s9  }
0x86: {  	[tilespmem:s21], [sflag:$0xB] =	stream.linear.gather @!p1 [hbm4b:s9+s19], $0x80, $0x38;
	[tilespmem:$0x18200] =	vst v63  }
0x87: {  	s9 =	simm.s32 @!p1 $0x6  }
0x88: {  	_ =	swait.ge @!p1 [sflag:s9], $0x2000  }
0x89: {  	[sflag:s9] =	ssyncset.done @!p1 $0x0  }
0x8a: {  	[sflag:s9] =	ssyncadd.s32 @!p1 $0xFFFFE000  }
0x8b: {  	v1 =	vld [tilespmem:s12+$0xFFFFFF50]  }
0x8c: {  	v0 =	vld [tilespmem:s12+$0xFFFFFFD0]  }
0x8d: {  	v2 =	vld [tilespmem:s12+$0xFFFFFF90];
	_ =	sdelay $0x1  }
0x8e: {  	s9 =	simm.s32 $0x122F0  }
0x8f: {  	v3 =	vld [tilespmem:s12+$0xFFFFFF10];
	[tilespmem:s9+$0xFFFFFF50] =	vst v1  }
0x90: {  	[tilespmem:s9+$0xFFFFFFD0] =	vst v0;
	v1 =	vld [tilespmem:s12+$0xFFFFFF60]  }
0x91: {  	[tilespmem:s9+$0xFFFFFF90] =	vst v2;
	v0 =	vld [tilespmem:s12+$0xFFFFFFE0]  }
0x92: {  	v2 =	vld [tilespmem:s12+$0xFFFFFFA0]  }
0x93: {  	s19 =	sadd.s32 $0x100, s12  }
0x94: {  	v4 =	vld [tilespmem:s19+$0xFFFFFFD0];
	[tilespmem:s9+$0xFFFFFF10] =	vst v3  }
0x95: {  	v3 =	vld [tilespmem:s12+$0xFFFFFF20];
	[tilespmem:s9+$0xFFFFFF60] =	vst v1  }
0x96: {  	[tilespmem:s9+$0xFFFFFFE0] =	vst v0;
	v1 =	vld [tilespmem:s12+$0xFFFFFF70]  }
0x97: {  	[tilespmem:s9+$0xFFFFFFA0] =	vst v2;
	v0 =	vld [tilespmem:s12+$0xFFFFFFF0]  }
0x98: {  	s21 =	simm.s32 $0x123F0;
	v2 =	vld [tilespmem:s12+$0xFFFFFFB0]  }
0x99: {  	v5 =	vld [tilespmem:s19+$0xFFFFFF50];
	[tilespmem:s21+$0xFFFFFFD0] =	vst v4  }
0x9a: {  	v4 =	vld [tilespmem:s19+$0xFFFFFFE0];
	[tilespmem:s9+$0xFFFFFF20] =	vst v3  }
0x9b: {  	[tilespmem:s9+$0xFFFFFF70] =	vst v1;
	v1 =	vld [tilespmem:s19+$0xFFFFFF90]  }
0x9c: {  	v3 =	vld [tilespmem:s19+$0xFFFFFF10];
	[tilespmem:s9+$0xFFFFFFF0] =	vst v0  }
0x9d: {  	[tilespmem:s9+$0xFFFFFFB0] =	vst v2;
	v2 =	vld [tilespmem:s12+$0xFFFFFF30]  }
0x9e: {  	[tilespmem:s21+$0xFFFFFF50] =	vst v5;
	v0 =	vld [tilespmem:s12+$0x0]  }
0x9f: {  	v5 =	vld [tilespmem:s19+$0xFFFFFF60];
	[tilespmem:s21+$0xFFFFFFE0] =	vst v4  }
0xa0: {  	[tilespmem:s21+$0xFFFFFF90] =	vst v1;
	v1 =	vld [tilespmem:s12+$0xFFFFFF80]  }
0xa1: {  	[tilespmem:s21+$0xFFFFFF10] =	vst v3;
	v6 =	vld [tilespmem:s19+$0xFFFFFFA0]  }
0xa2: {  	v7 =	vld [tilespmem:s19+$0xFFFFFF20];
	[tilespmem:s9+$0xFFFFFF30] =	vst v2  }
0xa3: {  	[tilespmem:s9+$0x0] =	vst v0;
	v0 =	vld [tilespmem:s12+$0xFFFFFF40]  }
0xa4: {  	[tilespmem:s21+$0xFFFFFF60] =	vst v5;
	v2 =	vld [tilespmem:s19+$0xFFFFFFF0]  }
0xa5: {  	v3 =	vld [tilespmem:s19+$0xFFFFFF70];
	[tilespmem:s9+$0xFFFFFF80] =	vst v1  }
0xa6: {  	v1 =	vld [tilespmem:s12+$0xFFFFFFC0];
	[tilespmem:s21+$0xFFFFFFA0] =	vst v6  }
0xa7: {  	s22 =	simm.s32 $0x4;
	s31 =	sadd.s32 $0x100, s19;
	[tilespmem:s21+$0xFFFFFF20] =	vst v7;
	s12 =	sor.u32 $0x80, s11;
	v4 =	vld [tilespmem:s19+$0xFFFFFFB0]  }
.LBB2_5:
0xa8: {  	v5 =	vld [tilespmem:s31+$0xFFFFFFD0];
	s22 =	sadd.s32 $0x4, s22;
	[tilespmem:s9+$0xFFFFFF40] =	vst v0  }
0xa9: {  	v0 =	vld [tilespmem:s31+$0xFFFFFF50];
	p2 =	slt.u32 s22, $0x7C;
	[tilespmem:s21+$0xFFFFFFF0] =	vst v2  }
0xaa: {  	[tilespmem:s21+$0xFFFFFF70] =	vst v3;
	v2 =	vld [tilespmem:s19+$0x0]  }
0xab: {  	v3 =	vld [tilespmem:s31+$0xFFFFFF90];
	[tilespmem:s9+$0xFFFFFFC0] =	vst v1;
	s9 =	smov.u32 s21  }
0xac: {  	s21 =	sadd.s32 $0x100, s21;
	v1 =	vld [tilespmem:s31+$0xFFFFFF10];
	[tilespmem:s9+$0xFFFFFFB0] =	vst v4  }
0xad: {  	[tilespmem:s21+$0xFFFFFFD0] =	vst v5;
	v4 =	vld [tilespmem:s19+$0xFFFFFF30]  }
0xae: {  	[tilespmem:s21+$0xFFFFFF50] =	vst v0;
	v0 =	vld [tilespmem:s31+$0xFFFFFFE0]  }
0xaf: {  	v5 =	vld [tilespmem:s31+$0xFFFFFF60];
	[tilespmem:s9+$0x0] =	vst v2  }
0xb0: {  	[tilespmem:s21+$0xFFFFFF90] =	vst v3;
	v6 =	vld [tilespmem:s19+$0xFFFFFF80]  }
0xb1: {  	[tilespmem:s21+$0xFFFFFF10] =	vst v1;
	v1 =	vld [tilespmem:s31+$0xFFFFFFA0]  }
0xb2: {  	v7 =	vld [tilespmem:s31+$0xFFFFFF20];
	[tilespmem:s9+$0xFFFFFF30] =	vst v4  }
.Ltmp3:
0xb3: {  	[tilespmem:s21+$0xFFFFFFE0] =	vst v0;
	v0 =	vld [tilespmem:s19+$0xFFFFFF40];
	(pc) =	sbr.rel @p2 .LBB2_5-.Ltmp3, $4  }
0xb4: {  	[tilespmem:s21+$0xFFFFFF60] =	vst v5;
	v2 =	vld [tilespmem:s31+$0xFFFFFFF0]  }
0xb5: {  	v3 =	vld [tilespmem:s31+$0xFFFFFF70];
	[tilespmem:s9+$0xFFFFFF80] =	vst v6  }
0xb6: {  	[tilespmem:s21+$0xFFFFFFA0] =	vst v1;
	v1 =	vld [tilespmem:s19+$0xFFFFFFC0];
	s19 =	smov.u32 s31  }
0xb7: {  	s31 =	sadd.s32 $0x100, s31;
	[tilespmem:s21+$0xFFFFFF20] =	vst v7;
	v4 =	vld [tilespmem:s19+$0xFFFFFFB0]  }
0xb8: {  	v5 =	vld [tilespmem:s19+$0xFFFFFF30]  }
0xb9: {  	[tilespmem:s9+$0xFFFFFF40] =	vst v0  }
0xba: {  	[tilespmem:s21+$0xFFFFFFF0] =	vst v2  }
0xbb: {  	[tilespmem:s21+$0xFFFFFF70] =	vst v3;
	v2 =	vld [tilespmem:s19+$0x0]  }
0xbc: {  	v3 =	vld [tilespmem:s19+$0xFFFFFF80];
	[tilespmem:s21+$0xFFFFFFB0] =	vst v4  }
0xbd: {  	[tilespmem:s21+$0xFFFFFF30] =	vst v5;
	v0 =	vld [tilespmem:s19+$0xFFFFFFC0]  }
0xbe: {  	v4 =	vld [tilespmem:s19+$0xFFFFFF40]  }
0xbf: {  	[tilespmem:s9+$0xFFFFFFC0] =	vst v1  }
0xc0: {  	[tilespmem:s21+$0x0] =	vst v2  }
0xc1: {  	s9 =	sadd.s32 @!p1 $0xFFFFFFFF, s10;
	[tilespmem:s21+$0xFFFFFF80] =	vst v3  }
0xc2: {  	s19 =	sshra.s32 @!p1 s9, $0x1F;
	[tilespmem:s21+$0xFFFFFFC0] =	vst v0  }
0xc3: {  	[tilespmem:s21+$0xFFFFFF40] =	vst v4;
	s21 =	sshrl.u32 @!p1 s19, $0x1D  }
0xc4: {  	_ =	swait.ge [sflag:s28], $0x80;
	s21 =	sadd.s32 @!p1 s21, s9  }
0xc5: {  	s19 =	sadd.s32 @!p1 s7, s19;
	[sflag:s28] =	ssyncset.done $0x0;
	s21 =	sshrl.u32 @!p1 s21, $0x3  }
0xc6: {  	s9 =	sshll.u32 @!p1 s9, $0xD;
	[sflag:s28] =	ssyncadd.s32 $0xFFFFFF80;
	s19 =	sadd.s32 @!p1 s21, s19  }
0xc7: {  	[tilespmem:s29], [sflag:$0x2] =	stream.indirect.gather.add.f32 [hbm:s5], $0x40, s20, s25, $0xb8;
	[tilespmem:$0x18200] =	vst v63  }
0xc8: {  	s9 =	sand.u32 @!p1 $0xE000, s9;
	s21 =	simm.s32 @!p1 $0x4;
	s19 =	sshll.u32 @!p1 s19, $0x10  }
0xc9: {  	_ =	swait.ge @!p1 [sflag:s21], $0x2000;
	s9 =	sor.u32 @!p1 s9, s19  }
0xca: {  	s19 =	simm.s32 @!p1 $0x0;
	[sflag:s21] =	ssyncset.done @!p1 $0x0;
	s9 =	sshrl.u32 @!p1 s9, $0x3  }
0xcb: {  	[sflag:s21] =	ssyncadd.s32 @!p1 $0xFFFFE000;
	s9 =	sadd.s32 @!p1 s1, s9;
	s21 =	simm.s32 @!p1 $0x16200  }
0xcc: {  	[hbm4b:s9+s19] =	stream.linear.scatter @!p1 [tilespmem:s21], [sflag:$0x8], $0x2000, $0x38;
	[tilespmem:$0x18200] =	vst v63  }
0xcd: {  	s9 =	sadd.s32 @!p1 $0x30, s16  }
0xce: {  	s9 =	sand.u32 @!p1 $0x1FFFFFF0, s9  }
0xcf: {  	s16 =	simm.s32 @!p1 $0x10180;
	s9 =	sadd.s32 @!p1 s4, s9  }
0xd0: {  	v0 =	vmov s15;
	[tilespmem:s16], [sflag:$0xC] =	stream.linear.gather @!p1 [hbm4b:s9+s19], $0x80, $0x38;
	[tilespmem:$0x18200] =	vst v63  }
0xd1: {  	s9 =	simm.s32 @!p1 $0x7  }
0xd2: {  	_ =	swait.ge @!p1 [sflag:s9], $0x2000  }
0xd3: {  	[sflag:s9] =	ssyncset.done @!p1 $0x0  }
0xd4: {  	s15 =	simm.s32 $0x0;
	[sflag:s9] =	ssyncadd.s32 @!p1 $0xFFFFE000  }
0xd5: {  	v1 =	vld.idx.msk [tilespmem:v0+s15+$0x40C0 ss:$0x1], $0xffff  }
0xd6: {  	v2 =	vld.idx.msk [tilespmem:v0+s15+$0x4000 ss:$0x1], $0xffff;
	_ =	sdelay $0x1  }
0xd7: {  	v3 =	vld.idx.msk [tilespmem:v0+s15+$0x4040 ss:$0x1], $0xffff  }
0xd8: {  	s9 =	simm.s32 $0x100;
	v4 =	vld.idx.msk [tilespmem:v0+s15+$0x4080 ss:$0x1], $0xffff  }
0xd9: {  	v5 =	vld.idx.msk [tilespmem:v0+s9+$0x40C0 ss:$0x1], $0xffff;
	[tilespmem:s15+$0x142C0] =	vst v1  }
0xda: {  	[tilespmem:s15+$0x14200] =	vst v2;
	v1 =	vld.idx.msk [tilespmem:v0+s15+$0x40D0 ss:$0x1], $0xffff  }
0xdb: {  	v2 =	vld.idx.msk [tilespmem:v0+s15+$0x4010 ss:$0x1], $0xffff  }
0xdc: {  	v6 =	vld.idx.msk [tilespmem:v0+s9+$0x4000 ss:$0x1], $0xffff  }
0xdd: {  	v7 =	vld.idx.msk [tilespmem:v0+s9+$0x4080 ss:$0x1], $0xffff;
	[tilespmem:s15+$0x14240] =	vst v3  }
0xde: {  	[tilespmem:s15+$0x14280] =	vst v4;
	v3 =	vld.idx.msk [tilespmem:v0+s15+$0x4050 ss:$0x1], $0xffff  }
0xdf: {  	v4 =	vld.idx.msk [tilespmem:v0+s15+$0x4090 ss:$0x1], $0xffff;
	[tilespmem:s15+$0x142D0] =	vst v1  }
0xe0: {  	[tilespmem:s15+$0x14210] =	vst v2;
	v1 =	vld.idx.msk [tilespmem:v0+s15+$0x40E0 ss:$0x1], $0xffff  }
0xe1: {  	[tilespmem:s9+$0x142C0] =	vst v5;
	v2 =	vld.idx.msk [tilespmem:v0+s15+$0x4020 ss:$0x1], $0xffff  }
0xe2: {  	[tilespmem:s9+$0x14200] =	vst v6;
	v6 =	vld.idx.msk [tilespmem:v0+s9+$0x40D0 ss:$0x1], $0xffff  }
0xe3: {  	[tilespmem:s15+$0x14250] =	vst v3;
	v3 =	vld.idx.msk [tilespmem:v0+s9+$0x4040 ss:$0x1], $0xffff  }
0xe4: {  	v9 =	vld.idx.msk [tilespmem:v0+s9+$0x4010 ss:$0x1], $0xffff;
	[tilespmem:s15+$0x14290] =	vst v4  }
0xe5: {  	v8 =	vld.idx.msk [tilespmem:v0+s15+$0x4060 ss:$0x1], $0xffff;
	[tilespmem:s15+$0x142E0] =	vst v1  }
0xe6: {  	[tilespmem:s15+$0x14220] =	vst v2;
	v2 =	vld.idx.msk [tilespmem:v0+s15+$0x40A0 ss:$0x1], $0xffff  }
0xe7: {  	[tilespmem:s9+$0x14280] =	vst v7;
	v1 =	vld.idx.msk [tilespmem:v0+s15+$0x40F0 ss:$0x1], $0xffff  }
0xe8: {  	v5 =	vld.idx.msk [tilespmem:v0+s9+$0x4090 ss:$0x1], $0xffff;
	[tilespmem:s9+$0x14240] =	vst v3  }
0xe9: {  	[tilespmem:s9+$0x142D0] =	vst v6;
	v4 =	vld.idx.msk [tilespmem:v0+s9+$0x4050 ss:$0x1], $0xffff  }
0xea: {  	v6 =	vld.idx.msk [tilespmem:v0+s9+$0x40E0 ss:$0x1], $0xffff;
	[tilespmem:s15+$0x14260] =	vst v8  }
0xeb: {  	v3 =	vld.idx.msk [tilespmem:v0+s15+$0x4030 ss:$0x1], $0xffff;
	[tilespmem:s15+$0x142A0] =	vst v2  }
0xec: {  	[tilespmem:s15+$0x142F0] =	vst v1;
	v1 =	vld.idx.msk [tilespmem:v0+s15+$0x4070 ss:$0x1], $0xffff  }
0xed: {  	s16 =	simm.s32 $0x4;
	s19 =	simm.s32 $0x800;
	[tilespmem:s9+$0x14210] =	vst v9;
	v2 =	vld.idx.msk [tilespmem:v0+s15+$0x40B0 ss:$0x1], $0xffff  }
.LBB2_7:
0xee: {  	s21 =	sshra.s32 s19, $0x2;
	s16 =	sadd.s32 $0x4, s16;
	v7 =	vld.idx.msk [tilespmem:v0+s9+$0x4020 ss:$0x1], $0xffff;
	[tilespmem:s9+$0x14250] =	vst v4  }
0xef: {  	v4 =	vld.idx.msk [tilespmem:v0+s21+$0x40C0 ss:$0x1], $0xffff;
	p1 =	slt.u32 s16, $0x7C;
	[tilespmem:s9+$0x14290] =	vst v5  }
0xf0: {  	v5 =	vld.idx.msk [tilespmem:v0+s21+$0x4000 ss:$0x1], $0xffff;
	[tilespmem:s15+$0x14230] =	vst v3  }
0xf1: {  	v3 =	vld.idx.msk [tilespmem:v0+s21+$0x4040 ss:$0x1], $0xffff;
	[tilespmem:s15+$0x14270] =	vst v1  }
0xf2: {  	v1 =	vld.idx.msk [tilespmem:v0+s21+$0x4080 ss:$0x1], $0xffff;
	[tilespmem:s15+$0x142B0] =	vst v2;
	s15 =	smov.u32 s9;
	s9 =	smov.u32 s21  }
0xf3: {  	v2 =	vld.idx.msk [tilespmem:v0+s15+$0x4060 ss:$0x1], $0xffff;
	[tilespmem:s15+$0x142E0] =	vst v6  }
0xf4: {  	[tilespmem:s15+$0x14220] =	vst v7;
	v6 =	vld.idx.msk [tilespmem:v0+s15+$0x40F0 ss:$0x1], $0xffff  }
0xf5: {  	[tilespmem:s9+$0x142C0] =	vst v4;
	v7 =	vld.idx.msk [tilespmem:v0+s15+$0x40A0 ss:$0x1], $0xffff  }
0xf6: {  	[tilespmem:s9+$0x14200] =	vst v5;
	v8 =	vld.idx.msk [tilespmem:v0+s9+$0x40D0 ss:$0x1], $0xffff  }
0xf7: {  	v9 =	vld.idx.msk [tilespmem:v0+s9+$0x4010 ss:$0x1], $0xffff;
	[tilespmem:s9+$0x14240] =	vst v3  }
0xf8: {  	v4 =	vld.idx.msk [tilespmem:v0+s9+$0x4050 ss:$0x1], $0xffff;
	[tilespmem:s9+$0x14280] =	vst v1  }
.Ltmp4:
0xf9: {  	v5 =	vld.idx.msk [tilespmem:v0+s9+$0x4090 ss:$0x1], $0xffff;
	[tilespmem:s15+$0x14260] =	vst v2;
	(pc) =	sbr.rel @p1 .LBB2_7-.Ltmp4, $4  }
0xfa: {  	v3 =	vld.idx.msk [tilespmem:v0+s15+$0x4030 ss:$0x1], $0xffff;
	[tilespmem:s15+$0x142F0] =	vst v6  }
0xfb: {  	v1 =	vld.idx.msk [tilespmem:v0+s15+$0x4070 ss:$0x1], $0xffff;
	[tilespmem:s15+$0x142A0] =	vst v7  }
0xfc: {  	[tilespmem:s9+$0x142D0] =	vst v8;
	v2 =	vld.idx.msk [tilespmem:v0+s15+$0x40B0 ss:$0x1], $0xffff  }
0xfd: {  	s19 =	sadd.s32 $0x400, s19;
	[tilespmem:s9+$0x14210] =	vst v9;
	v6 =	vld.idx.msk [tilespmem:v0+s9+$0x40E0 ss:$0x1], $0xffff  }
0xfe: {  	_ =	sdelay $0x3  }
0xff: {  	v7 =	vld.idx.msk [tilespmem:v0+s9+$0x4020 ss:$0x1], $0xffff;
	[tilespmem:s9+$0x14250] =	vst v4  }
0x100: {  	[tilespmem:s9+$0x14290] =	vst v5;
	v4 =	vld.idx.msk [tilespmem:v0+s9+$0x4060 ss:$0x1], $0xffff  }
0x101: {  	v5 =	vld.idx.msk [tilespmem:v0+s9+$0x40A0 ss:$0x1], $0xffff  }
0x102: {  	[tilespmem:s15+$0x14230] =	vst v3  }
0x103: {  	[tilespmem:s9+$0x142E0] =	vst v6  }
0x104: {  	[tilespmem:s9+$0x14220] =	vst v7;
	v3 =	vld.idx.msk [tilespmem:v0+s9+$0x40F0 ss:$0x1], $0xffff  }
0x105: {  	[tilespmem:s9+$0x14260] =	vst v4;
	v4 =	vld.idx.msk [tilespmem:v0+s9+$0x4030 ss:$0x1], $0xffff  }
0x106: {  	[tilespmem:s9+$0x142A0] =	vst v5;
	v6 =	vld.idx.msk [tilespmem:v0+s9+$0x4070 ss:$0x1], $0xffff  }
0x107: {  	[tilespmem:s15+$0x14270] =	vst v1;
	v1 =	vld.idx.msk [tilespmem:v0+s9+$0x40B0 ss:$0x1], $0xffff  }
0x108: {  	[tilespmem:s15+$0x142B0] =	vst v2  }
0x109: {  	[tilespmem:s9+$0x142F0] =	vst v3  }
0x10a: {  	[tilespmem:s9+$0x14230] =	vst v4  }
0x10b: {  	[tilespmem:s9+$0x14270] =	vst v6  }
0x10c: {  	[tilespmem:s9+$0x142B0] =	vst v1  }
0x10d: {  	_ =	swait.ge [sflag:s30], $0x80  }
0x10e: {  	s16 =	simm.s32 $0x10100;
	[sflag:s30] =	ssyncset.done $0x0  }
0x10f: {  	s19 =	simm.s32 $0x14200;
	s21 =	sshrl.u32 s18, $0x1;
	[sflag:s30] =	ssyncadd.s32 $0xFFFFFF80  }
0x110: {  	[tilespmem:s19], [sflag:$0x3] =	stream.indirect.gather.add.f32 [hbm:s5], $0x40, s16, s25, $0xb8;
	[tilespmem:$0x18200] =	vst v63  }
0x111: {  	s22 =	sshll.u32 s11, $0x3;
	s9 =	sor.u32 s7, s21;
	_ =	swait.ge [sflag:s23], $0x2000  }
0x112: {  	s31 =	sadd.s32 s1, s22;
	s11 =	sshll.u32 s9, $0xD;
	[sflag:s23] =	ssyncset.done $0x0  }
0x113: {  	p1 =	seq.s32 s18, $0x3F;
	s9 =	sadd.s32 s11, s31;
	[sflag:s23] =	ssyncadd.s32 $0xFFFFE000  }
0x114: {  	[hbm4b:s9+s3] =	stream.linear.scatter [tilespmem:s26], [sflag:$0x5], $0x2000, $0x38;
	[tilespmem:$0x18200] =	vst v63  }
0x115: {  	s9 =	sadd.s32 @!p1 s10, s13  }
0x116: {  	p2 =	seq.s32 @!p1 s18, $0x0;
	s9 =	sshll.u32 @!p1 s9, $0x4  }
0x117: {  	p2 =	por p1, !p2;
	s9 =	sand.u32 @!p1 $0x1FFFFFC0, s9  }
0x118: {  	s15 =	simm.s32 @!p1 $0x0;
	s16 =	simm.s32 @!p1 $0x10000;
	s9 =	sadd.s32 @!p1 s4, s9  }
0x119: {  	[tilespmem:s16], [sflag:$0x9] =	stream.linear.gather @!p1 [hbm4b:s9+s15], $0x80, $0x38;
	[tilespmem:$0x18200] =	vst v63  }
0x11a: {  	_ =	swait.ge @p2 [sflag:s17], $0x2000  }
0x11b: {  	[sflag:s17] =	ssyncset.done @p2 $0x0  }
0x11c: {  	s15 =	simm.s32 $0x0;
	[sflag:s17] =	ssyncadd.s32 @p2 $0xFFFFE000  }
0x11d: {  	v1 =	vld.idx.msk [tilespmem:v0+s15+$0x60C0 ss:$0x1], $0xffff  }
0x11e: {  	v2 =	vld.idx.msk [tilespmem:v0+s15+$0x6000 ss:$0x1], $0xffff;
	_ =	sdelay $0x1  }
0x11f: {  	v3 =	vld.idx.msk [tilespmem:v0+s15+$0x6040 ss:$0x1], $0xffff  }
0x120: {  	s9 =	simm.s32 $0x100;
	v4 =	vld.idx.msk [tilespmem:v0+s15+$0x6080 ss:$0x1], $0xffff  }
0x121: {  	v5 =	vld.idx.msk [tilespmem:v0+s9+$0x60C0 ss:$0x1], $0xffff;
	[tilespmem:s15+$0x162C0] =	vst v1  }
0x122: {  	[tilespmem:s15+$0x16200] =	vst v2;
	v1 =	vld.idx.msk [tilespmem:v0+s15+$0x60D0 ss:$0x1], $0xffff  }
0x123: {  	v2 =	vld.idx.msk [tilespmem:v0+s15+$0x6010 ss:$0x1], $0xffff  }
0x124: {  	v6 =	vld.idx.msk [tilespmem:v0+s9+$0x6000 ss:$0x1], $0xffff  }
0x125: {  	v7 =	vld.idx.msk [tilespmem:v0+s9+$0x6080 ss:$0x1], $0xffff;
	[tilespmem:s15+$0x16240] =	vst v3  }
0x126: {  	[tilespmem:s15+$0x16280] =	vst v4;
	v3 =	vld.idx.msk [tilespmem:v0+s15+$0x6050 ss:$0x1], $0xffff  }
0x127: {  	v4 =	vld.idx.msk [tilespmem:v0+s15+$0x6090 ss:$0x1], $0xffff;
	[tilespmem:s15+$0x162D0] =	vst v1  }
0x128: {  	[tilespmem:s15+$0x16210] =	vst v2;
	v1 =	vld.idx.msk [tilespmem:v0+s15+$0x60E0 ss:$0x1], $0xffff  }
0x129: {  	[tilespmem:s9+$0x162C0] =	vst v5;
	v2 =	vld.idx.msk [tilespmem:v0+s15+$0x6020 ss:$0x1], $0xffff  }
0x12a: {  	[tilespmem:s9+$0x16200] =	vst v6;
	v6 =	vld.idx.msk [tilespmem:v0+s9+$0x60D0 ss:$0x1], $0xffff  }
0x12b: {  	[tilespmem:s15+$0x16250] =	vst v3;
	v3 =	vld.idx.msk [tilespmem:v0+s9+$0x6040 ss:$0x1], $0xffff  }
0x12c: {  	v9 =	vld.idx.msk [tilespmem:v0+s9+$0x6010 ss:$0x1], $0xffff;
	[tilespmem:s15+$0x16290] =	vst v4  }
0x12d: {  	v8 =	vld.idx.msk [tilespmem:v0+s15+$0x6060 ss:$0x1], $0xffff;
	[tilespmem:s15+$0x162E0] =	vst v1  }
0x12e: {  	[tilespmem:s15+$0x16220] =	vst v2;
	v2 =	vld.idx.msk [tilespmem:v0+s15+$0x60A0 ss:$0x1], $0xffff  }
0x12f: {  	[tilespmem:s9+$0x16280] =	vst v7;
	v1 =	vld.idx.msk [tilespmem:v0+s15+$0x60F0 ss:$0x1], $0xffff  }
0x130: {  	v5 =	vld.idx.msk [tilespmem:v0+s9+$0x6090 ss:$0x1], $0xffff;
	[tilespmem:s9+$0x16240] =	vst v3  }
0x131: {  	[tilespmem:s9+$0x162D0] =	vst v6;
	v4 =	vld.idx.msk [tilespmem:v0+s9+$0x6050 ss:$0x1], $0xffff  }
0x132: {  	v6 =	vld.idx.msk [tilespmem:v0+s9+$0x60E0 ss:$0x1], $0xffff;
	[tilespmem:s15+$0x16260] =	vst v8  }
0x133: {  	v3 =	vld.idx.msk [tilespmem:v0+s15+$0x6030 ss:$0x1], $0xffff;
	[tilespmem:s15+$0x162A0] =	vst v2  }
0x134: {  	[tilespmem:s15+$0x162F0] =	vst v1;
	v1 =	vld.idx.msk [tilespmem:v0+s15+$0x6070 ss:$0x1], $0xffff  }
0x135: {  	s19 =	simm.s32 $0x800;
	s16 =	simm.s32 $0x4;
	[tilespmem:s9+$0x16210] =	vst v9;
	v2 =	vld.idx.msk [tilespmem:v0+s15+$0x60B0 ss:$0x1], $0xffff  }
.LBB2_9:
0x136: {  	s21 =	sshra.s32 s19, $0x2;
	s16 =	sadd.s32 $0x4, s16;
	v7 =	vld.idx.msk [tilespmem:v0+s9+$0x6020 ss:$0x1], $0xffff;
	[tilespmem:s9+$0x16250] =	vst v4  }
0x137: {  	v4 =	vld.idx.msk [tilespmem:v0+s21+$0x60C0 ss:$0x1], $0xffff;
	p2 =	slt.u32 s16, $0x7C;
	[tilespmem:s9+$0x16290] =	vst v5  }
0x138: {  	v5 =	vld.idx.msk [tilespmem:v0+s21+$0x6000 ss:$0x1], $0xffff;
	[tilespmem:s15+$0x16230] =	vst v3  }
0x139: {  	v3 =	vld.idx.msk [tilespmem:v0+s21+$0x6040 ss:$0x1], $0xffff;
	[tilespmem:s15+$0x16270] =	vst v1  }
0x13a: {  	v1 =	vld.idx.msk [tilespmem:v0+s21+$0x6080 ss:$0x1], $0xffff;
	[tilespmem:s15+$0x162B0] =	vst v2;
	s15 =	smov.u32 s9;
	s9 =	smov.u32 s21  }
0x13b: {  	v2 =	vld.idx.msk [tilespmem:v0+s15+$0x6060 ss:$0x1], $0xffff;
	[tilespmem:s15+$0x162E0] =	vst v6  }
0x13c: {  	[tilespmem:s15+$0x16220] =	vst v7;
	v6 =	vld.idx.msk [tilespmem:v0+s15+$0x60F0 ss:$0x1], $0xffff  }
0x13d: {  	[tilespmem:s9+$0x162C0] =	vst v4;
	v7 =	vld.idx.msk [tilespmem:v0+s15+$0x60A0 ss:$0x1], $0xffff  }
0x13e: {  	[tilespmem:s9+$0x16200] =	vst v5;
	v8 =	vld.idx.msk [tilespmem:v0+s9+$0x60D0 ss:$0x1], $0xffff  }
0x13f: {  	v9 =	vld.idx.msk [tilespmem:v0+s9+$0x6010 ss:$0x1], $0xffff;
	[tilespmem:s9+$0x16240] =	vst v3  }
0x140: {  	v4 =	vld.idx.msk [tilespmem:v0+s9+$0x6050 ss:$0x1], $0xffff;
	[tilespmem:s9+$0x16280] =	vst v1  }
.Ltmp5:
0x141: {  	v5 =	vld.idx.msk [tilespmem:v0+s9+$0x6090 ss:$0x1], $0xffff;
	[tilespmem:s15+$0x16260] =	vst v2;
	(pc) =	sbr.rel @p2 .LBB2_9-.Ltmp5, $4  }
0x142: {  	v3 =	vld.idx.msk [tilespmem:v0+s15+$0x6030 ss:$0x1], $0xffff;
	[tilespmem:s15+$0x162F0] =	vst v6  }
0x143: {  	v1 =	vld.idx.msk [tilespmem:v0+s15+$0x6070 ss:$0x1], $0xffff;
	[tilespmem:s15+$0x162A0] =	vst v7  }
0x144: {  	[tilespmem:s9+$0x162D0] =	vst v8;
	v2 =	vld.idx.msk [tilespmem:v0+s15+$0x60B0 ss:$0x1], $0xffff  }
0x145: {  	s19 =	sadd.s32 $0x400, s19;
	[tilespmem:s9+$0x16210] =	vst v9;
	v6 =	vld.idx.msk [tilespmem:v0+s9+$0x60E0 ss:$0x1], $0xffff  }
0x146: {  	_ =	sdelay $0x3  }
0x147: {  	v7 =	vld.idx.msk [tilespmem:v0+s9+$0x6020 ss:$0x1], $0xffff;
	[tilespmem:s9+$0x16250] =	vst v4  }
0x148: {  	[tilespmem:s9+$0x16290] =	vst v5;
	v4 =	vld.idx.msk [tilespmem:v0+s9+$0x6060 ss:$0x1], $0xffff  }
0x149: {  	v5 =	vld.idx.msk [tilespmem:v0+s9+$0x60A0 ss:$0x1], $0xffff  }
0x14a: {  	[tilespmem:s15+$0x16230] =	vst v3  }
0x14b: {  	[tilespmem:s9+$0x162E0] =	vst v6  }
0x14c: {  	[tilespmem:s9+$0x16220] =	vst v7;
	v60 =	vld.idx.msk [tilespmem:v0+s9+$0x60F0 ss:$0x1], $0xffff  }
0x14d: {  	[tilespmem:s9+$0x16260] =	vst v4;
	v61 =	vld.idx.msk [tilespmem:v0+s9+$0x6030 ss:$0x1], $0xffff  }
0x14e: {  	[tilespmem:s9+$0x162A0] =	vst v5;
	v62 =	vld.idx.msk [tilespmem:v0+s9+$0x6070 ss:$0x1], $0xffff  }
0x14f: {  	[tilespmem:s15+$0x16270] =	vst v1;
	v63 =	vld.idx.msk [tilespmem:v0+s9+$0x60B0 ss:$0x1], $0xffff  }
0x150: {  	[tilespmem:s15+$0x162B0] =	vst v2  }
0x151: {  	[tilespmem:s9+$0x162F0] =	vst v60  }
0x152: {  	[tilespmem:s9+$0x16230] =	vst v61  }
0x153: {  	[tilespmem:s9+$0x16270] =	vst v62  }
0x154: {  	[tilespmem:s9+$0x162B0] =	vst v63  }
0x155: {  	_ =	swait.ge [sflag:s0], $0x80  }
0x156: {  	[sflag:s0] =	ssyncset.done $0x0  }
0x157: {  	s22 =	simm.s32 $0x10180;
	[sflag:s0] =	ssyncadd.s32 $0xFFFFFF80  }
0x158: {  	[tilespmem:s2], [sflag:$0x4] =	stream.indirect.gather.add.f32 [hbm:s5], $0x40, s22, s25, $0xb8;
	[tilespmem:$0x18200] =	vst v63  }
.Ltmp6:
0x159: {  	_ = 	snop;
	(pc) =	sbr.rel @p1 .LBB2_12-.Ltmp6, $4  }
0x15a: {  	_ =	swait.ge [sflag:s6], $0x2000  }
0x15b: {  	s31 =	sshll.u32 s12, $0x3;
	s11 =	sadd.s32 s1, s11;
	[sflag:s6] =	ssyncset.done $0x0  }
0x15c: {  	s9 =	sadd.s32 s31, s11;
	[sflag:s6] =	ssyncadd.s32 $0xFFFFE000  }
0x15d: {  	[hbm4b:s9+s3] =	stream.linear.scatter [tilespmem:s29], [sflag:$0x6], $0x2000, $0x38;
	[tilespmem:$0x18200] =	vst v63  }
.Ltmp7:
0x15e: {  	s9 =	sadd.s32 s10, s14;
	(pc) =	sbr.rel .LBB2_2-.Ltmp7, $4  }
0x15f: {  	s9 =	sshll.u32 s9, $0x4  }
0x160: {  	s9 =	sand.u32 $0x1FFFFFD0, s9  }
0x161: {  	s18 =	sadd.s32 $0x1, s18;
	p0 =	por !p0, !p0;
	s9 =	sadd.s32 s4, s9  }
0x162: {  	[tilespmem:s20], [sflag:$0xA] =	stream.linear.gather [hbm4b:s9+s3], $0x80, $0x38;
	[tilespmem:$0x18200] =	vst v63  }
.LBB2_13:
0x163: {  	_ =	sfence.sel $0x180000  }
0x164: {  	[bflag:$0x0] =	sbarrier.arrive $0xFFFF  }
0x165: {  	_ =	strace $0x90000047  }
0x166: {  	s0 =	stileid.u32;
	[bflag:$0x2] =	sbarrier.arrive $0xFFFF  }
0x167: {  	p0 =	sne.s32 s0, $0x0;
	s0 =	rddreg [dreg:$0x2]  }
0x168: {  	s0 =	sadd.s32 @!p0 $0x100000, s0  }
0x169: {  	[sflag:s0] =	ssyncadd.tile.s32 @!p0 $0x1;
	_ =	shalt  }
.Lfunc_end2:
_tile_overlayer_lowered:
.L_overlay_start_2:
0x16a: {  	(tag) =	ssettag $0x2  }
0x16b: {  	s0 =	rddreg [dreg:$0x0];
	s2 =	stileid.u32  }
0x16c: {  	s1 =	rddreg [dreg:$0x1];
	p0 =	sne.s32 s2, $0x0  }
0x16d: {  	s3 =	rddreg [dreg:$0x2];
	[bflag:$0x3] =	sbarrier.arrive $0xFFFF;
	s2 =	simm.s32 @!p0 $0x1C0D  }
0x16e: {  	[timem:s3], [sflag:s2] =	dma.local @!p0 [hbm:s0], s1  }
0x16f: {  	s0 =	simm.s32 @!p0 $0xD  }
0x170: {  	_ =	swait.ge @!p0 [sflag:s0], s1  }
0x171: {  	s1 =	ssub.s32 @!p0 $0x0, s1;
	[sflag:s0] =	ssyncset.done @!p0 $0x0  }
0x172: {  	[sflag:s0] =	ssyncadd.s32 @!p0 s1  }
0x173: {  	[bflag:$0x3] =	sbarrier.arrive $0xFFFF  }
0x174: {  	_ =	shalt  }

// kernel: sparse-core-data-format-call.cloned.1.call-start
scs
called_computation_lowered:
.L_overlay_start_0:
0x0: {  	s2 =	sld [smem:$0x3FD9]  }
0x1: {  	s3 =	sld [smem:$0x3FFE];
	_ =	sdelay $0x1  }
0x2: {  	s1 =	srdreg.scid  }
0x3: {  	s0 =	sand.u32 $0x1, s1  }
0x4: {  	s18 =	sshll.u32 s0, $0xA;
	s2 =	sadd.s32 s3, s2  }
0x5: {  	s2 =	sadd.s32 s2, s18  }
0x6: {  	[smem:$0x3FC5] =	sst s2  }
0x7: {  	_ = 	snop  }
0x8: {  	s2 =	sld [smem:$0x3FD0];
	(tm) =	ssettm $0x1  }
0x9: {  	s19 =	sld [smem:$0x3FFB];
	_ =	sdelay $0x3  }
0xa: {  	_ =	strace s19  }
0xb: {  	s3 =	sld [smem:$0x3FFC];
	_ =	sdelay $0x3  }
0xc: {  	_ =	strace s3  }
0xd: {  	s3 =	sld [smem:$0x3FFD];
	_ =	sdelay $0x3  }
0xe: {  	_ =	strace s3  }
0xf: {  	_ =	strace $0x8FFFFFFF  }
0x10: {  	s20 =	sld [smem:$0x3FDB];
	_ =	sdelay $0x1  }
0x11: {  	s4 =	simm.s32 $_scs_section_size  }
0x12: {  	s5 =	simm.s32 $_size__tile_overlayer_lowered;
	s6 =	simm.s32 $_tile_overlayer_lowered  }
0x13: {  	s23 =	simm.s32 $0x1BFF;
	s22 =	sshll.u32 s6, $0x1;
	s3 =	sadd.s32 s4, s20  }
0x14: {  	s7 =	simm.s32 $0x0;
	s21 =	sshll.u32 s5, $0x1;
	s5 =	sadd.s32 s22, s3  }
0x15: {  	[timem:s7], [sflag:s23] =	dma.local [hbm:s5], s21  }
0x16: {  	_ =	swait.ge [sflag:s23], s21  }
0x17: {  	s4 =	ssub.s32 $0x0, s21;
	[sflag:s23] =	ssyncset.done $0x0  }
0x18: {  	[sflag:s23] =	ssyncadd.s32 s4;
	_ =	sdelay $0x1  }
0x19: {  	s24 =	simm.s32 $0x1B8B  }
0x1a: {  	_ =	swait.ge [sflag:s24], $0x1  }
0x1b: {  	[sflag:s24] =	ssyncset.done $0x0  }
0x1c: {  	s26 =	simm.s32 $0x1B8E;
	s25 =	sld [smem:$0x3FFE];
	[sflag:s24] =	ssyncadd.s32 $0xFFFFFFFF  }
0x1d: {  	s27 =	simm.s32 $execute0_lowered;
	[smem:$0x3FD2] =	sst s26  }
0x1e: {  	s5 =	sshll.u32 s27, $0x1;
	_ =	strace $0x80000049;
	[dreg:$0x1] =	wrdreg $0xFFFFFFFF  }
0x1f: {  	s28 =	simm.s32 $_size_execute0_lowered;
	s3 =	sadd.s32 s3, s5;
	[dreg:$0x0] =	wrdreg $0x0  }
0x20: {  	s5 =	sshll.u32 s28, $0x1;
	[dreg:$0x2] =	wrdreg s3  }
0x21: {  	[dreg:$0x3] =	wrdreg s5  }
0x22: {  	[dreg:$0x4] =	wrdreg $0xC0  }
0x23: {  	_ =	task [dreg:s7], $0x5FFFF  }
0x24: {  	[dreg:$0x1] =	wrdreg $0xFFFFFFFF  }
0x25: {  	[dreg:$0x0] =	wrdreg $0x60  }
0x26: {  	[dreg:$0x2] =	wrdreg s25  }
0x27: {  	[dreg:$0x3] =	wrdreg s2  }
0x28: {  	[dreg:$0x4] =	wrdreg $0x9  }
0x29: {  	_ =	task.clear_ibuf [dreg:s7], $0x5FFFF;
	_ =	strace $0x90000049  }
0x2a: {  	s29 =	simm.s32 $0x9;
	_ =	strace $0x8000004B  }
0x2b: {  	_ =	swait.ge [sflag:s29], $0x1  }
0x2c: {  	[sflag:s29] =	ssyncadd.s32 $0xFFFFFFFF  }
0x2d: {  	_ =	strace $0x9000004B  }
0x2e: {  	_ =	sfence  }
0x2f: {  	s30 =	sld [smem:$0x0];
	_ =	sdelay $0x2  }
0x30: {  	s31 =	sshll.u32 s1, $0xD;
	s1 =	sshrl.u32 s1, $0x2  }
0x31: {  	s3 =	sand.u32 $0x4000, s31;
	s1 =	sadd.s32 s1, s30  }
0x32: {  	s0 =	sor.u32 s3, s0;
	s1 =	sshll.u32 s1, $0x11  }
0x33: {  	s0 =	sor.u32 s1, s0  }
0x34: {  	s0 =	sadd.s32 $0x8F2B, s0  }
0x35: {  	[sflag:s0] =	ssyncadd.remote.s32 $0x1  }
0x36: {  	_ =	sfence.sel $0xFFFF  }
0x37: {  	[dreg:$0x0] =	wrdreg $0xFFFFFFFF;
	(pc) =	sbr.abs _section_cstart, $3  }
0x38: {  	[dreg:$0x1] =	wrdreg $0xFFFFFFFF  }
0x39: {  	_ =	task.clear_ibuf [dreg:s7], $0x2FFFF;
	_ =	strace $0x9FFFFFFF  }
0x3a: {  	(tm) =	ssettm $0x7FFFFFFF  }
0x3b: {  	_ =	shalt  }
tec
execute0_lowered:
.L_overlay_start_1:
0x0: {  	(tag) =	ssettag $0x1  }
0x1: {  	s0 =	srdreg.scid  }
0x2: {  	s7 =	rddreg [dreg:$0x0];
	s1 =	sshll.u32 s0, $0x4  }
0x3: {  	s3 =	rddreg [dreg:$0x1];
	s0 =	stileid.u32;
	s1 =	sand.u32 $0x10, s1  }
0x4: {  	s6 =	simm.s32 $0x1;
	s31 =	simm.s32 $0x2;
	s1 =	sor.u32 s0, s1  }
0x5: {  	s13 =	simm.s32 $0x0;
	s9 =	simm.s32 $0x2000;
	s2 =	sshll.u32 s1, $0x1  }
0x6: {  	s14 =	simm.s32 $0x0;
	s10 =	simm.s32 $0x0;
	s4 =	ssub.s32 $0x400, s2  }
0x7: {  	s12 =	simm.s32 $0x0;
	s1 =	rddreg [dreg:$0x2];
	s5 =	sand.u32 $0x3E, s4  }
.Ltmp0:
0x8: {  	_ =	strace $0x8000004A;
	p0 =	sne.s32 s5, $0x0;
	(pc) =	sbr.rel .LBB1_1-.Ltmp0, $4  }
0x9: {  	s11 =	smov.u32 s2;
	s8 =	sshrl.u32 s4, $0x6;
	s6 =	simm.s32 @!p0 $0x0  }
0xa: {  	s4 =	sadd.s32 $0x800, s7;
	s5 =	simm.s32 $0x1;
	s6 =	sadd.s32 s6, s8  }
0xb: {  	s7 =	sadd.s32 $0x4800, s7;
	[sflag:s5] =	ssyncpa.u1 $0x0;
	s6 =	sshll.u32 s6, $0x3  }
0xc: {  	p0 =	por $0x0, $0x0;
	[sflag:s31] =	ssyncpa.u1 $0x0;
	s8 =	sor.u32 $0x1, s6  }
.LBB1_7:
0xd: {  	s15 =	sadd.s32 $0x80, s10  }
0xe: {  	s13 =	sadd.s32 $0x40, s11;
	s17 =	smov.u32 s11;
	p2 =	sgt.s32 s15, $0x3FF  }
0xf: {  	s17 =	smov.u32 @p2 s13  }
0x10: {  	s15 =	simm.s32 @p2 $0x0;
	p2 =	sgt.s32 s17, $0x3FF  }
0x11: {  	s17 =	smov.u32 @p2 s2;
	p2 =	sne.s32 s12, s8  }
.Ltmp1:
0x12: {  	p1 =	slt.u32 s12, $0x2;
	(pc) =	sbr.rel @!p2 .LBB1_8-.Ltmp1, $4  }
0x13: {  	s16 =	simm.s32 @!p1 $0x2  }
0x14: {  	s14 =	smov.u32 s11;
	p0 =	por !p0, !p0;
	_ =	swait.ge @!p1 [sflag:s16], $0x4000  }
0x15: {  	s13 =	smov.u32 s10;
	[sflag:s16] =	ssyncset.done @!p1 $0x0;
	s10 =	smov.u32 s15  }
0x16: {  	s12 =	sadd.s32 $0x1, s12;
	[sflag:s16] =	ssyncadd.s32 @!p1 $0xFFFFC000;
	s11 =	smov.u32 s17  }
.LBB1_1:
0x17: {  	p1 =	sge.u32 s12, s6  }
0x18: {  	s15 =	sxor.u32 @!p1 $0xFFFFFFFF, s12;
	s16 =	sshll.u32 @!p1 s11, $0xE  }
0x19: {  	s17 =	sshll.u32 @!p1 s10, $0x4;
	s19 =	simm.s32 @!p1 $0x40;
	s20 =	simm.s32 @!p1 $0x80  }
0x1a: {  	s15 =	sshll.u32 @!p1 s15, $0xE;
	s17 =	sand.u32 @!p1 $0x3FF0, s17;
	s18 =	sadd.s32 @!p1 s4, s16  }
0x1b: {  	s16 =	sadd.s32 @!p1 s16, s7;
	s15 =	sand.u32 @!p1 $0x4000, s15;
	s18 =	sadd.s32 @!p1 s17, s18  }
0x1c: {  	[tilespmem:s15], [sflag:$0x1] =	stream.strided.gather @!p1 [hbm4b:s18+s19], $0x2000, s20, s19, $0x38;
	[tilespmem:$0x10100] =	vst v63  }
0x1d: {  	s31 =	sadd.s32 $0xFFFFFFFF, s12;
	s16 =	sadd.s32 @!p1 s17, s16;
	s15 =	sor.u32 @!p1 $0x2000, s15  }
0x1e: {  	[tilespmem:s15], [sflag:$0x1] =	stream.strided.gather @!p1 [hbm4b:s16+s19], $0x2000, s20, s19, $0x38;
	[tilespmem:$0x10100] =	vst v63  }
0x1f: {  	p1 =	sge.u32 s31, s6  }
.Ltmp2:
0x20: {  	_ = 	snop;
	(pc) =	sbr.rel @p1 .LBB1_7-.Ltmp2, $1  }
0x21: {  	_ =	sdelay $0x3  }
0x22: {  	s15 =	simm.s32 $0x1;
	s17 =	sand.u32 $0x1, s12  }
0x23: {  	_ =	swait.ge [sflag:s5], $0x4000;
	s15 =	simm.s32 @!p0 $0x0;
	s17 =	smul.u32 $0x10200, s17  }
0x24: {  	p2 =	por $0x1, $0x1;
	[sflag:s5] =	ssyncset.done $0x0;
	s16 =	smul.u32 $0x10200, s15  }
0x25: {  	s18 =	sshll.u32 s15, $0x10;
	[sflag:s5] =	ssyncadd.s32 $0xFFFFC000;
	s30 =	sshrl.u32 s17, $0x2  }
0x26: {  	s31 =	sshrl.u32 s18, $0x2;
	s18 =	simm.s32 $0x0;
	s16 =	sshrl.u32 s16, $0x2  }
0x27: {  	s15 =	sor.u32 $0x8000, s30;
	s17 =	sadd.s32 $0x20, s31;
	s16 =	sor.u32 $0x8000, s16  }
.LBB1_3:
0x28: {  	s19 =	sshll.u32 s18, $0xD  }
0x29: {  	s19 =	sand.u32 $0x3FFFE000, s19  }
0x2a: {  	s21 =	sadd.s32 s19, s17  }
0x2b: {  	s31 =	smul.u32 $0x8100, s18;
	v3 =	vld [tilespmem:s21+$0x10]  }
0x2c: {  	v1 =	vld [tilespmem:s21+$0xFFFFFFF0]  }
0x2d: {  	s18 =	sshra.s32 s31, $0x2;
	v0 =	vld [tilespmem:s21+$0x0]  }
0x2e: {  	s18 =	sadd.s32 s18, s16;
	v2 =	vld [tilespmem:s21+$0xFFFFFFE0]  }
0x2f: {  	s19 =	sadd.s32 $0x0, s18  }
0x30: {  	p1 =	por p2, p2;
	s20 =	simm.s32 $0x4;
	s21 =	sadd.s32 $0x40, s21;
	[tilespmem:s19+$0x1830 ss:$0x81] =	vst.msk $0xffff, v3  }
.LBB1_4:
0x31: {  	v3 =	vld [tilespmem:s21+$0x10];
	p2 =	sne.s32 s20, $0x1FC;
	[tilespmem:s19+$0x810 ss:$0x81] =	vst.msk $0xffff, v1;
	s22 =	smov.u32 s20;
	s20 =	sadd.s32 $0x4, s20  }
.Ltmp3:
0x32: {  	v1 =	vld [tilespmem:s21+$0xFFFFFFF0];
	[tilespmem:s19+$0x1020 ss:$0x81] =	vst.msk $0xffff, v0;
	(pc) =	sbr.rel @p2 .LBB1_4-.Ltmp3, $4  }
0x33: {  	v0 =	vld [tilespmem:s21+$0x0];
	[tilespmem:s19+$0x0 ss:$0x81] =	vst.msk $0xffff, v2  }
0x34: {  	s19 =	sshra.s32 s22, $0x2;
	v2 =	vld [tilespmem:s21+$0xFFFFFFE0]  }
0x35: {  	s19 =	sadd.s32 s19, s18  }
0x36: {  	s21 =	sadd.s32 $0x40, s21;
	[tilespmem:s19+$0x1830 ss:$0x81] =	vst.msk $0xffff, v3  }
.Ltmp4:
0x37: {  	(pc) =	sbr.rel @p1 .LBB1_3-.Ltmp4, $4  }
0x38: {  	_ = 	snop  }
0x39: {  	[tilespmem:s19+$0x810 ss:$0x81] =	vst.msk $0xffff, v1  }
0x3a: {  	[tilespmem:s19+$0x1020 ss:$0x81] =	vst.msk $0xffff, v0  }
0x3b: {  	s18 =	simm.s32 $0x1;
	p2 =	por $0x0, $0x0;
	[tilespmem:s19+$0x0 ss:$0x81] =	vst.msk $0xffff, v2  }
.Ltmp5:
0x3c: {  	s16 =	sand.u32 $0x1F80, s13;
	s14 =	sshll.u32 s14, $0xD;
	(pc) =	sbr.rel .LBB1_7-.Ltmp5, $4  }
0x3d: {  	s17 =	sshrl.u32 s13, $0x3;
	s31 =	sand.u32 $0x7, s13;
	s14 =	sadd.s32 s3, s14  }
0x3e: {  	s17 =	sand.u32 $0xF, s17;
	s13 =	sshll.u32 s31, $0x12;
	s14 =	sadd.s32 s16, s14  }
0x3f: {  	s13 =	sor.u32 $0x400, s13;
	s14 =	sadd.s32 s17, s14  }
0x40: {  	[hbm4b:s14+s13] =	stream.strided.scatter [tilespmem:s15], [sflag:$0x2], $0x4000, s9, s13, $0x20;
	[tilespmem:$0x10100] =	vst v63  }
.LBB1_8:
0x41: {  	_ =	sfence.sel $0x180000  }
0x42: {  	s2 =	simm.s32 $0x1;
	[bflag:$0x0] =	sbarrier.arrive $0xFFFF  }
0x43: {  	s31 =	simm.s32 $0x2;
	[sflag:s2] =	ssyncpa.u1 $0x1  }
0x44: {  	[sflag:s31] =	ssyncpa.u1 $0x1  }
0x45: {  	p0 =	sne.s32 s0, $0x0;
	_ =	strace $0x9000004A  }
0x46: {  	s0 =	sadd.s32 @!p0 $0x100000, s1;
	[bflag:$0x2] =	sbarrier.arrive $0xFFFF  }
0x47: {  	[sflag:s0] =	ssyncadd.tile.s32 @!p0 $0x1;
	_ =	shalt  }
.Lfunc_end1:
_tile_overlayer_lowered:
.L_overlay_start_2:
0x48: {  	(tag) =	ssettag $0x2  }
0x49: {  	s0 =	rddreg [dreg:$0x0];
	s2 =	stileid.u32  }
0x4a: {  	s1 =	rddreg [dreg:$0x1];
	p0 =	sne.s32 s2, $0x0  }
0x4b: {  	s3 =	rddreg [dreg:$0x2];
	[bflag:$0x3] =	sbarrier.arrive $0xFFFF;
	s2 =	simm.s32 @!p0 $0x1C01  }
0x4c: {  	[timem:s3], [sflag:s2] =	dma.local @!p0 [hbm:s0], s1  }
0x4d: {  	s0 =	simm.s32 @!p0 $0x1  }
0x4e: {  	_ =	swait.ge @!p0 [sflag:s0], s1  }
0x4f: {  	s1 =	ssub.s32 @!p0 $0x0, s1;
	[sflag:s0] =	ssyncset.done @!p0 $0x0  }
0x50: {  	[sflag:s0] =	ssyncadd.s32 @!p0 s1  }
0x51: {  	[bflag:$0x3] =	sbarrier.arrive $0xFFFF  }
0x52: {  	_ =	shalt  }

</sc_bundles>
